<compile_context>
chip_gen: v7x
topology: tpu7x:2x2x1
jax: 0.10.2.dev20260603
libtpu: 0.0.44.dev20260713+nightly
codegen_flags: <defaults>
</compile_context>

<pallas_src>
import dataclasses

import jax
import jax.numpy as jnp
from jax import lax
from jax.experimental import pallas as pl
from jax.experimental.pallas import tpu as pltpu
from jax.experimental.pallas import tpu_sc as plsc

_B = 4
_N = 1024
_H = 12
_NP = _H // 2
_NBUCKETS = 32
_TAB = _NBUCKETS * _NBUCKETS
_MAXD = 128
_L = 16
_NC = 2
_NS = 16
_ROWS_PER_W = (_B * _N) // (_NC * _NS)
_SHIFT = 127 * 256 + 127


def _rel_bucket_lut():
    rel = jnp.arange(-127, 128, dtype=jnp.int32)
    n = -rel
    nb = _NBUCKETS // 2
    ret = (n < 0).astype(jnp.int32) * nb
    n = jnp.abs(n)
    max_exact = nb // 2
    is_small = n < max_exact
    n_safe = jnp.maximum(n, 1).astype(jnp.float32)
    val_if_large = max_exact + jnp.floor(
        jnp.log(n_safe / max_exact)
        / jnp.log(jnp.float32(_MAXD / max_exact))
        * (nb - max_exact)
    ).astype(jnp.int32)
    val_if_large = jnp.minimum(val_if_large, nb - 1)
    return ret + jnp.where(is_small, n, val_if_large)


def _sc_body(xf_hbm, yf_hbm, lutrep_hbm, rep_hbm, out_hbm,
             xf_v, yf_v, c_v, lutrep_v, tabs, rowbufs,
             osem0, osem1):
    cid = lax.axis_index("c")
    sid = lax.axis_index("s")
    wid = sid * _NC + cid
    nslab = _N // _ROWS_PER_W
    b = wid // nslab
    i0 = (wid % nslab) * _ROWS_PER_W
    rp0 = b * (_H * _N) + i0

    pltpu.sync_copy(xf_hbm.at[b], xf_v)
    pltpu.sync_copy(yf_hbm.at[b], yf_v)
    pltpu.sync_copy(lutrep_hbm, lutrep_v)
    for p in range(_NP):
        pltpu.sync_copy(rep_hbm.at[p], tabs[p])

    @pl.loop(0, _N, step=_L)
    def _(c):
        s = pl.ds(c, _L)
        xi = (xf_v[s] * float(_MAXD)).astype(jnp.int32)
        yi = (yf_v[s] * float(_MAXD)).astype(jnp.int32)
        c_v[s] = xi * 256 + yi

    osems = (osem0, osem1)
    iota = lax.iota(jnp.int32, _L)
    iota32 = iota * 32
    himask = jnp.int32(-65536)

    @pl.loop(0, _ROWS_PER_W, step=2)
    def _(r2):
        for sub in range(2):
            i = i0 + r2 + sub
            rp = rp0 + r2 + sub
            buf = rowbufs[sub]
            sem = osems[sub]

            @pl.when(r2 >= 2)
            def _():
                pltpu.make_async_copy(
                    rep_hbm.at[0, pl.ds(0, _H * _N)],
                    tabs[0].at[pl.ds(0, _H * _N)], sem).wait()

            iv = jnp.full((_L,), i, dtype=jnp.int32)
            siv = plsc.load_gather(c_v, [iv]) + _SHIFT

            @plsc.parallel_loop(0, _N, step=_L, unroll=4)
            def _(c):
                s = pl.ds(c, _L)
                d = siv - c_v[s]
                dyr = jnp.left_shift(jnp.bitwise_and(d, 255), 4) + iota
                dxr = jnp.bitwise_and(jnp.right_shift(d, 4), 4080) + iota
                gx = plsc.load_gather(lutrep_v, [dxr])
                gy = plsc.load_gather(lutrep_v, [dyr])
                cidr = jnp.left_shift(gx, 5) + gy - iota32
                for p in range(_NP):
                    w = plsc.load_gather(tabs[p], [cidr])
                    buf[2 * p][s] = plsc.bitcast(
                        jnp.bitwise_and(w, himask), jnp.float32)
                    buf[2 * p + 1][s] = plsc.bitcast(
                        jnp.left_shift(w, 16), jnp.float32)

            for h in range(_H):
                pltpu.async_copy(buf[h], out_hbm.at[rp + h * _N], sem)

    for sub in range(2):
        pltpu.make_async_copy(
            rep_hbm.at[0, pl.ds(0, _H * _N)],
            tabs[0].at[pl.ds(0, _H * _N)], osems[sub]).wait()


@jax.jit
def kernel(coords_2d, bias_table):
    lut = _rel_bucket_lut()
    lut16 = jnp.zeros((256,), jnp.int32).at[:255].set(lut * _L)
    lutrep = (lut16[:, None] + jnp.arange(_L, dtype=jnp.int32)[None, :]
              ).reshape(256 * _L)

    tb = bias_table.astype(jnp.bfloat16)
    tu = lax.bitcast_convert_type(tb, jnp.uint16).astype(jnp.uint32)
    packed = (tu[:, 0::2] << 16) | tu[:, 1::2]
    packed = packed.T.astype(jnp.int32)
    rep = jnp.broadcast_to(
        packed[:, :, None], (_NP, _TAB, _L)).reshape(_NP, _TAB * _L)

    xf = coords_2d[:, :, 0]
    yf = coords_2d[:, :, 1]

    mesh = plsc.VectorSubcoreMesh(
        core_axis_name="c", subcore_axis_name="s",
        num_cores=_NC, num_subcores=_NS)
    cp = pltpu.CompilerParams()
    if "needs_layout_passes" in pltpu.CompilerParams.__dataclass_fields__:
        cp = dataclasses.replace(cp, needs_layout_passes=False)
    run = pl.kernel(
        _sc_body,
        compiler_params=cp,
        out_type=jax.ShapeDtypeStruct((_B * _H * _N, _N), jnp.float32),
        mesh=mesh,
        scratch_types=[
            pltpu.VMEM((_N,), jnp.float32),
            pltpu.VMEM((_N,), jnp.float32),
            pltpu.VMEM((_N,), jnp.int32),
            pltpu.VMEM((256 * _L,), jnp.int32),
            [pltpu.VMEM((_TAB * _L,), jnp.int32)
             for _ in range(_NP)],
            [[pltpu.VMEM((_N,), jnp.float32) for _ in range(_H)]
             for _ in range(2)],
            pltpu.SemaphoreType.DMA,
            pltpu.SemaphoreType.DMA,
        ],
    )
    out = run(xf, yf, lutrep, rep)
    return out.reshape(_B, _H, _N, _N)

# --- scband reference (transcript-rebuilt; emitter-appended) ---
"""Pipeline reference for scband-relative-position-bias2-d-83665962926648 (READ-ONLY COPY).

The authoritative reference and input builder live on the scoring server;
editing this copy changes nothing except your own understanding.
"""

import jax, jax.numpy as jnp
import numpy as np

NUM_HEADS = 12
NUM_BUCKETS = 32
MAX_DISTANCE = 128


def _relative_position_bucket(relative_position, num_buckets, max_distance):
    ret = 0
    n = -relative_position
    nb = num_buckets // 2
    ret = ret + (n < 0).astype(jnp.int32) * nb
    n = jnp.abs(n)
    max_exact = nb // 2
    is_small = n < max_exact
    # guard log(0); masked out by is_small anyway (matches torch.where semantics)
    n_safe = jnp.maximum(n, 1).astype(jnp.float32)
    val_if_large = max_exact + jnp.floor(
        jnp.log(n_safe / max_exact) / jnp.log(jnp.float32(max_distance / max_exact)) * (nb - max_exact)
    ).astype(jnp.int32)
    val_if_large = jnp.minimum(val_if_large, nb - 1)
    ret = ret + jnp.where(is_small, n, val_if_large)
    return ret


def setup_inputs(seed: int = 0) -> dict:
    key = jax.random.key(seed)
    k1, k2 = jax.random.split(key)
    coords_2d = jax.random.uniform(k1, (4, 1024, 2), dtype=jnp.float32)
    bias_table = 0.02 * jax.random.truncated_normal(
        k2, -2.0, 2.0, (NUM_BUCKETS * NUM_BUCKETS, NUM_HEADS), dtype=jnp.float32
    )
    return {"coords_2d": coords_2d, "bias_table": bias_table}


def reference(coords_2d, bias_table):
    coords = jax.lax.stop_gradient(coords_2d)
    coords_int = (coords * MAX_DISTANCE).astype(jnp.int32)
    rel_x = coords_int[:, :, None, 0] - coords_int[:, None, :, 0]
    rel_y = coords_int[:, :, None, 1] - coords_int[:, None, :, 1]
    bucket_x = _relative_position_bucket(rel_x, NUM_BUCKETS, MAX_DISTANCE)
    bucket_y = _relative_position_bucket(rel_y, NUM_BUCKETS, MAX_DISTANCE)
    bucket_idx = bucket_x * NUM_BUCKETS + bucket_y
    rel_bias = jnp.take(bias_table, bucket_idx, axis=0)  # (B, N, N, H)
    rel_bias = jnp.transpose(rel_bias, (0, 3, 1, 2))  # (B, H, N, N)
    return rel_bias

if __name__ == "__main__":
    import jax
    _d = setup_inputs()
    print(jax.jit(kernel)(*tuple(_d.values())))

</pallas_src>

<mosaic_0001>
#map = affine_map<(d0, d1) -> (0, 0)>
#map1 = affine_map<(d0, d1) -> (0)>
module attributes {stable_mosaic.version = 14 : i64} {
  func.func @_sc_body(%arg0: i32, %arg1: i32, %arg2: memref<4x1024xf32, #tpu.memory_space<hbm>>, %arg3: memref<4x1024xf32, #tpu.memory_space<hbm>>, %arg4: memref<4096xi32, #tpu.memory_space<hbm>>, %arg5: memref<6x16384xi32, #tpu.memory_space<hbm>>, %arg6: memref<49152x1024xf32, #tpu.memory_space<hbm>>, %arg7: memref<1024xf32, #tpu.memory_space<vmem>>, %arg8: memref<1024xf32, #tpu.memory_space<vmem>>, %arg9: memref<1024xi32, #tpu.memory_space<vmem>>, %arg10: memref<4096xi32, #tpu.memory_space<vmem>>, %arg11: memref<16384xi32, #tpu.memory_space<vmem>>, %arg12: memref<16384xi32, #tpu.memory_space<vmem>>, %arg13: memref<16384xi32, #tpu.memory_space<vmem>>, %arg14: memref<16384xi32, #tpu.memory_space<vmem>>, %arg15: memref<16384xi32, #tpu.memory_space<vmem>>, %arg16: memref<16384xi32, #tpu.memory_space<vmem>>, %arg17: memref<1024xf32, #tpu.memory_space<vmem>>, %arg18: memref<1024xf32, #tpu.memory_space<vmem>>, %arg19: memref<1024xf32, #tpu.memory_space<vmem>>, %arg20: memref<1024xf32, #tpu.memory_space<vmem>>, %arg21: memref<1024xf32, #tpu.memory_space<vmem>>, %arg22: memref<1024xf32, #tpu.memory_space<vmem>>, %arg23: memref<1024xf32, #tpu.memory_space<vmem>>, %arg24: memref<1024xf32, #tpu.memory_space<vmem>>, %arg25: memref<1024xf32, #tpu.memory_space<vmem>>, %arg26: memref<1024xf32, #tpu.memory_space<vmem>>, %arg27: memref<1024xf32, #tpu.memory_space<vmem>>, %arg28: memref<1024xf32, #tpu.memory_space<vmem>>, %arg29: memref<1024xf32, #tpu.memory_space<vmem>>, %arg30: memref<1024xf32, #tpu.memory_space<vmem>>, %arg31: memref<1024xf32, #tpu.memory_space<vmem>>, %arg32: memref<1024xf32, #tpu.memory_space<vmem>>, %arg33: memref<1024xf32, #tpu.memory_space<vmem>>, %arg34: memref<1024xf32, #tpu.memory_space<vmem>>, %arg35: memref<1024xf32, #tpu.memory_space<vmem>>, %arg36: memref<1024xf32, #tpu.memory_space<vmem>>, %arg37: memref<1024xf32, #tpu.memory_space<vmem>>, %arg38: memref<1024xf32, #tpu.memory_space<vmem>>, %arg39: memref<1024xf32, #tpu.memory_space<vmem>>, %arg40: memref<1024xf32, #tpu.memory_space<vmem>>, %arg41: memref<!tpu.dma_semaphore, #tpu.memory_space<semaphore_mem>>, %arg42: memref<!tpu.dma_semaphore, #tpu.memory_space<semaphore_mem>>) attributes {dimension_semantics = [#tpu.dimension_semantics<core_parallel>, #tpu.dimension_semantics<subcore_parallel>], iteration_bounds = array<i64: 2, 16>, scalar_prefetch = 0 : i64, scratch_operands = 36 : i64, tpu.core_type = #tpu.core_type<sc_vector_subcore>, window_params = [{transform_indices = #map}, {transform_indices = #map}, {transform_indices = #map1}, {transform_indices = #map}, {transform_indices = #map}]} {
    %mul3A = arith.constant 2 : i32
    %mul3A_0 = arith.muli %arg1, %mul3A : i32
    %add3A = arith.addi %mul3A_0, %arg0 : i32
    %jit3A = arith.constant 8 : i32
    %div3A = arith.divsi %add3A, %jit3A : i32
    %sign3A = arith.constant 0 : i32
    %sign3A_1 = arith.cmpi sgt, %add3A, %sign3A : i32
    %sign3A_2 = arith.extui %sign3A_1 : i1 to i32
    %sign3A_3 = arith.constant 0 : i32
    %sign3A_4 = arith.cmpi slt, %add3A, %sign3A_3 : i32
    %sign3A_5 = arith.extui %sign3A_4 : i1 to i32
    %sign3A_6 = arith.subi %sign3A_2, %sign3A_5 : i32
    %sign3A_7 = arith.constant 0 : i32
    %sign3A_8 = arith.cmpi sgt, %jit3A, %sign3A_7 : i32
    %sign3A_9 = arith.extui %sign3A_8 : i1 to i32
    %sign3A_10 = arith.constant 0 : i32
    %sign3A_11 = arith.cmpi slt, %jit3A, %sign3A_10 : i32
    %sign3A_12 = arith.extui %sign3A_11 : i1 to i32
    %sign3A_13 = arith.subi %sign3A_9, %sign3A_12 : i32
    %ne3A = arith.cmpi ne, %sign3A_6, %sign3A_13 : i32
    %rem3A = arith.remsi %add3A, %jit3A : i32
    %ne3A_14 = arith.constant 0 : i32
    %ne3A_15 = arith.cmpi ne, %rem3A, %ne3A_14 : i32
    %and3A = arith.andi %ne3A, %ne3A_15 : i1
    %sub3A = arith.constant 1 : i32
    %sub3A_16 = arith.subi %div3A, %sub3A : i32
    %select_n3A = arith.select %and3A, %sub3A_16, %div3A : i32
    %jit3A_17 = arith.constant 8 : i32
    %eq3A = arith.constant 0 : i32
    %eq3A_18 = arith.cmpi eq, %jit3A_17, %eq3A : i32
    %jit3A_19 = arith.constant 1 : i32
    %select_n3A_20 = arith.select %eq3A_18, %jit3A_19, %jit3A_17 : i32
    %rem3A_21 = arith.remsi %add3A, %select_n3A_20 : i32
    %ne3A_22 = arith.constant 0 : i32
    %ne3A_23 = arith.cmpi ne, %rem3A_21, %ne3A_22 : i32
    %lt3A = arith.constant 0 : i32
    %lt3A_24 = arith.cmpi slt, %rem3A_21, %lt3A : i32
    %lt3A_25 = arith.constant 0 : i32
    %lt3A_26 = arith.cmpi slt, %select_n3A_20, %lt3A_25 : i32
    %ne3A_27 = arith.xori %lt3A_24, %lt3A_26 : i1
    %and3A_28 = arith.andi %ne3A_27, %ne3A_23 : i1
    %add3A_29 = arith.addi %rem3A_21, %select_n3A_20 : i32
    %select_n3A_30 = arith.select %and3A_28, %add3A_29, %rem3A_21 : i32
    %mul3A_31 = arith.constant 128 : i32
    %mul3A_32 = arith.muli %select_n3A_30, %mul3A_31 : i32
    %mul3A_33 = arith.constant 12288 : i32
    %mul3A_34 = arith.muli %select_n3A, %mul3A_33 : i32
    %add3A_35 = arith.addi %mul3A_34, %mul3A_32 : i32
    "tpu.region"() ({
      %run_scoped3A_75 = tpu.sem_alloc : memref<!tpu.dma_semaphore, #tpu.memory_space<semaphore_mem>>
      %dma_start3A = arith.constant 0 : i32
      %dma_start3A_76 = tpu.memref_slice %arg2[%select_n3A, %dma_start3A] : memref<4x1024xf32, #tpu.memory_space<hbm>> -> memref<1x1024xf32, #tpu.memory_space<hbm>>
      %dma_start3A_77 = tpu.memref_squeeze %dma_start3A_76 : memref<1x1024xf32, #tpu.memory_space<hbm>> -> memref<1024xf32, #tpu.memory_space<hbm>>
      %dma_start3A_78 = arith.constant 0 : i32
      %dma_start3A_79 = tpu.memref_slice %arg2[%select_n3A, %dma_start3A_78] : memref<4x1024xf32, #tpu.memory_space<hbm>> -> memref<1x1024xf32, #tpu.memory_space<hbm>>
      %dma_start3A_80 = tpu.memref_squeeze %dma_start3A_79 : memref<1x1024xf32, #tpu.memory_space<hbm>> -> memref<1024xf32, #tpu.memory_space<hbm>>
      tpu.enqueue_dma source(%dma_start3A_80 : memref<1024xf32, #tpu.memory_space<hbm>>) target(%arg7 : memref<1024xf32, #tpu.memory_space<vmem>>) target_semaphore(%run_scoped3A_75 : memref<!tpu.dma_semaphore, #tpu.memory_space<semaphore_mem>>)
      %dma_wait3A_81 = arith.constant 0 : i32
      %dma_wait3A_82 = tpu.memref_slice %arg2[%select_n3A, %dma_wait3A_81] : memref<4x1024xf32, #tpu.memory_space<hbm>> -> memref<1x1024xf32, #tpu.memory_space<hbm>>
      %dma_wait3A_83 = tpu.memref_squeeze %dma_wait3A_82 : memref<1x1024xf32, #tpu.memory_space<hbm>> -> memref<1024xf32, #tpu.memory_space<hbm>>
      %dma_wait3A_84 = arith.constant 0 : i32
      %dma_wait3A_85 = tpu.memref_slice %arg2[%select_n3A, %dma_wait3A_84] : memref<4x1024xf32, #tpu.memory_space<hbm>> -> memref<1x1024xf32, #tpu.memory_space<hbm>>
      %dma_wait3A_86 = tpu.memref_squeeze %dma_wait3A_85 : memref<1x1024xf32, #tpu.memory_space<hbm>> -> memref<1024xf32, #tpu.memory_space<hbm>>
      tpu.wait_dma2 semaphore(%run_scoped3A_75 : memref<!tpu.dma_semaphore, #tpu.memory_space<semaphore_mem>>) src(%dma_wait3A_86 : memref<1024xf32, #tpu.memory_space<hbm>>) dst(%arg7 : memref<1024xf32, #tpu.memory_space<vmem>>)
      tpu.yield
    }) : () -> ()
    "tpu.region"() ({
      %run_scoped3A_75 = tpu.sem_alloc : memref<!tpu.dma_semaphore, #tpu.memory_space<semaphore_mem>>
      %dma_start3A = arith.constant 0 : i32
      %dma_start3A_76 = tpu.memref_slice %arg3[%select_n3A, %dma_start3A] : memref<4x1024xf32, #tpu.memory_space<hbm>> -> memref<1x1024xf32, #tpu.memory_space<hbm>>
      %dma_start3A_77 = tpu.memref_squeeze %dma_start3A_76 : memref<1x1024xf32, #tpu.memory_space<hbm>> -> memref<1024xf32, #tpu.memory_space<hbm>>
      %dma_start3A_78 = arith.constant 0 : i32
      %dma_start3A_79 = tpu.memref_slice %arg3[%select_n3A, %dma_start3A_78] : memref<4x1024xf32, #tpu.memory_space<hbm>> -> memref<1x1024xf32, #tpu.memory_space<hbm>>
      %dma_start3A_80 = tpu.memref_squeeze %dma_start3A_79 : memref<1x1024xf32, #tpu.memory_space<hbm>> -> memref<1024xf32, #tpu.memory_space<hbm>>
      tpu.enqueue_dma source(%dma_start3A_80 : memref<1024xf32, #tpu.memory_space<hbm>>) target(%arg8 : memref<1024xf32, #tpu.memory_space<vmem>>) target_semaphore(%run_scoped3A_75 : memref<!tpu.dma_semaphore, #tpu.memory_space<semaphore_mem>>)
      %dma_wait3A_81 = arith.constant 0 : i32
      %dma_wait3A_82 = tpu.memref_slice %arg3[%select_n3A, %dma_wait3A_81] : memref<4x1024xf32, #tpu.memory_space<hbm>> -> memref<1x1024xf32, #tpu.memory_space<hbm>>
      %dma_wait3A_83 = tpu.memref_squeeze %dma_wait3A_82 : memref<1x1024xf32, #tpu.memory_space<hbm>> -> memref<1024xf32, #tpu.memory_space<hbm>>
      %dma_wait3A_84 = arith.constant 0 : i32
      %dma_wait3A_85 = tpu.memref_slice %arg3[%select_n3A, %dma_wait3A_84] : memref<4x1024xf32, #tpu.memory_space<hbm>> -> memref<1x1024xf32, #tpu.memory_space<hbm>>
      %dma_wait3A_86 = tpu.memref_squeeze %dma_wait3A_85 : memref<1x1024xf32, #tpu.memory_space<hbm>> -> memref<1024xf32, #tpu.memory_space<hbm>>
      tpu.wait_dma2 semaphore(%run_scoped3A_75 : memref<!tpu.dma_semaphore, #tpu.memory_space<semaphore_mem>>) src(%dma_wait3A_86 : memref<1024xf32, #tpu.memory_space<hbm>>) dst(%arg8 : memref<1024xf32, #tpu.memory_space<vmem>>)
      tpu.yield
    }) : () -> ()
    "tpu.region"() ({
      %run_scoped3A_75 = tpu.sem_alloc : memref<!tpu.dma_semaphore, #tpu.memory_space<semaphore_mem>>
      tpu.enqueue_dma source(%arg4 : memref<4096xi32, #tpu.memory_space<hbm>>) target(%arg10 : memref<4096xi32, #tpu.memory_space<vmem>>) target_semaphore(%run_scoped3A_75 : memref<!tpu.dma_semaphore, #tpu.memory_space<semaphore_mem>>)
      tpu.wait_dma2 semaphore(%run_scoped3A_75 : memref<!tpu.dma_semaphore, #tpu.memory_space<semaphore_mem>>) src(%arg4 : memref<4096xi32, #tpu.memory_space<hbm>>) dst(%arg10 : memref<4096xi32, #tpu.memory_space<vmem>>)
      tpu.yield
    }) : () -> ()
    %run_scoped3A = arith.constant 0 : i32
    "tpu.region"() ({
      %run_scoped3A_75 = tpu.sem_alloc : memref<!tpu.dma_semaphore, #tpu.memory_space<semaphore_mem>>
      %dma_start3A = arith.constant 0 : i32
      %dma_start3A_76 = tpu.memref_slice %arg5[%run_scoped3A, %dma_start3A] : memref<6x16384xi32, #tpu.memory_space<hbm>> -> memref<1x16384xi32, #tpu.memory_space<hbm>>
      %dma_start3A_77 = tpu.memref_squeeze %dma_start3A_76 : memref<1x16384xi32, #tpu.memory_space<hbm>> -> memref<16384xi32, #tpu.memory_space<hbm>>
      %dma_start3A_78 = arith.constant 0 : i32
      %dma_start3A_79 = tpu.memref_slice %arg5[%run_scoped3A, %dma_start3A_78] : memref<6x16384xi32, #tpu.memory_space<hbm>> -> memref<1x16384xi32, #tpu.memory_space<hbm>>
      %dma_start3A_80 = tpu.memref_squeeze %dma_start3A_79 : memref<1x16384xi32, #tpu.memory_space<hbm>> -> memref<16384xi32, #tpu.memory_space<hbm>>
      tpu.enqueue_dma source(%dma_start3A_80 : memref<16384xi32, #tpu.memory_space<hbm>>) target(%arg11 : memref<16384xi32, #tpu.memory_space<vmem>>) target_semaphore(%run_scoped3A_75 : memref<!tpu.dma_semaphore, #tpu.memory_space<semaphore_mem>>)
      %dma_wait3A_81 = arith.constant 0 : i32
      %dma_wait3A_82 = tpu.memref_slice %arg5[%run_scoped3A, %dma_wait3A_81] : memref<6x16384xi32, #tpu.memory_space<hbm>> -> memref<1x16384xi32, #tpu.memory_space<hbm>>
      %dma_wait3A_83 = tpu.memref_squeeze %dma_wait3A_82 : memref<1x16384xi32, #tpu.memory_space<hbm>> -> memref<16384xi32, #tpu.memory_space<hbm>>
      %dma_wait3A_84 = arith.constant 0 : i32
      %dma_wait3A_85 = tpu.memref_slice %arg5[%run_scoped3A, %dma_wait3A_84] : memref<6x16384xi32, #tpu.memory_space<hbm>> -> memref<1x16384xi32, #tpu.memory_space<hbm>>
      %dma_wait3A_86 = tpu.memref_squeeze %dma_wait3A_85 : memref<1x16384xi32, #tpu.memory_space<hbm>> -> memref<16384xi32, #tpu.memory_space<hbm>>
      tpu.wait_dma2 semaphore(%run_scoped3A_75 : memref<!tpu.dma_semaphore, #tpu.memory_space<semaphore_mem>>) src(%dma_wait3A_86 : memref<16384xi32, #tpu.memory_space<hbm>>) dst(%arg11 : memref<16384xi32, #tpu.memory_space<vmem>>)
      tpu.yield
    }) : () -> ()
    %run_scoped3A_36 = arith.constant 1 : i32
    "tpu.region"() ({
      %run_scoped3A_75 = tpu.sem_alloc : memref<!tpu.dma_semaphore, #tpu.memory_space<semaphore_mem>>
      %dma_start3A = arith.constant 0 : i32
      %dma_start3A_76 = tpu.memref_slice %arg5[%run_scoped3A_36, %dma_start3A] : memref<6x16384xi32, #tpu.memory_space<hbm>> -> memref<1x16384xi32, #tpu.memory_space<hbm>>
      %dma_start3A_77 = tpu.memref_squeeze %dma_start3A_76 : memref<1x16384xi32, #tpu.memory_space<hbm>> -> memref<16384xi32, #tpu.memory_space<hbm>>
      %dma_start3A_78 = arith.constant 0 : i32
      %dma_start3A_79 = tpu.memref_slice %arg5[%run_scoped3A_36, %dma_start3A_78] : memref<6x16384xi32, #tpu.memory_space<hbm>> -> memref<1x16384xi32, #tpu.memory_space<hbm>>
      %dma_start3A_80 = tpu.memref_squeeze %dma_start3A_79 : memref<1x16384xi32, #tpu.memory_space<hbm>> -> memref<16384xi32, #tpu.memory_space<hbm>>
      tpu.enqueue_dma source(%dma_start3A_80 : memref<16384xi32, #tpu.memory_space<hbm>>) target(%arg12 : memref<16384xi32, #tpu.memory_space<vmem>>) target_semaphore(%run_scoped3A_75 : memref<!tpu.dma_semaphore, #tpu.memory_space<semaphore_mem>>)
      %dma_wait3A_81 = arith.constant 0 : i32
      %dma_wait3A_82 = tpu.memref_slice %arg5[%run_scoped3A_36, %dma_wait3A_81] : memref<6x16384xi32, #tpu.memory_space<hbm>> -> memref<1x16384xi32, #tpu.memory_space<hbm>>
      %dma_wait3A_83 = tpu.memref_squeeze %dma_wait3A_82 : memref<1x16384xi32, #tpu.memory_space<hbm>> -> memref<16384xi32, #tpu.memory_space<hbm>>
      %dma_wait3A_84 = arith.constant 0 : i32
      %dma_wait3A_85 = tpu.memref_slice %arg5[%run_scoped3A_36, %dma_wait3A_84] : memref<6x16384xi32, #tpu.memory_space<hbm>> -> memref<1x16384xi32, #tpu.memory_space<hbm>>
      %dma_wait3A_86 = tpu.memref_squeeze %dma_wait3A_85 : memref<1x16384xi32, #tpu.memory_space<hbm>> -> memref<16384xi32, #tpu.memory_space<hbm>>
      tpu.wait_dma2 semaphore(%run_scoped3A_75 : memref<!tpu.dma_semaphore, #tpu.memory_space<semaphore_mem>>) src(%dma_wait3A_86 : memref<16384xi32, #tpu.memory_space<hbm>>) dst(%arg12 : memref<16384xi32, #tpu.memory_space<vmem>>)
      tpu.yield
    }) : () -> ()
    %run_scoped3A_37 = arith.constant 2 : i32
    "tpu.region"() ({
      %run_scoped3A_75 = tpu.sem_alloc : memref<!tpu.dma_semaphore, #tpu.memory_space<semaphore_mem>>
      %dma_start3A = arith.constant 0 : i32
      %dma_start3A_76 = tpu.memref_slice %arg5[%run_scoped3A_37, %dma_start3A] : memref<6x16384xi32, #tpu.memory_space<hbm>> -> memref<1x16384xi32, #tpu.memory_space<hbm>>
      %dma_start3A_77 = tpu.memref_squeeze %dma_start3A_76 : memref<1x16384xi32, #tpu.memory_space<hbm>> -> memref<16384xi32, #tpu.memory_space<hbm>>
      %dma_start3A_78 = arith.constant 0 : i32
      %dma_start3A_79 = tpu.memref_slice %arg5[%run_scoped3A_37, %dma_start3A_78] : memref<6x16384xi32, #tpu.memory_space<hbm>> -> memref<1x16384xi32, #tpu.memory_space<hbm>>
      %dma_start3A_80 = tpu.memref_squeeze %dma_start3A_79 : memref<1x16384xi32, #tpu.memory_space<hbm>> -> memref<16384xi32, #tpu.memory_space<hbm>>
      tpu.enqueue_dma source(%dma_start3A_80 : memref<16384xi32, #tpu.memory_space<hbm>>) target(%arg13 : memref<16384xi32, #tpu.memory_space<vmem>>) target_semaphore(%run_scoped3A_75 : memref<!tpu.dma_semaphore, #tpu.memory_space<semaphore_mem>>)
      %dma_wait3A_81 = arith.constant 0 : i32
      %dma_wait3A_82 = tpu.memref_slice %arg5[%run_scoped3A_37, %dma_wait3A_81] : memref<6x16384xi32, #tpu.memory_space<hbm>> -> memref<1x16384xi32, #tpu.memory_space<hbm>>
      %dma_wait3A_83 = tpu.memref_squeeze %dma_wait3A_82 : memref<1x16384xi32, #tpu.memory_space<hbm>> -> memref<16384xi32, #tpu.memory_space<hbm>>
      %dma_wait3A_84 = arith.constant 0 : i32
      %dma_wait3A_85 = tpu.memref_slice %arg5[%run_scoped3A_37, %dma_wait3A_84] : memref<6x16384xi32, #tpu.memory_space<hbm>> -> memref<1x16384xi32, #tpu.memory_space<hbm>>
      %dma_wait3A_86 = tpu.memref_squeeze %dma_wait3A_85 : memref<1x16384xi32, #tpu.memory_space<hbm>> -> memref<16384xi32, #tpu.memory_space<hbm>>
      tpu.wait_dma2 semaphore(%run_scoped3A_75 : memref<!tpu.dma_semaphore, #tpu.memory_space<semaphore_mem>>) src(%dma_wait3A_86 : memref<16384xi32, #tpu.memory_space<hbm>>) dst(%arg13 : memref<16384xi32, #tpu.memory_space<vmem>>)
      tpu.yield
    }) : () -> ()
    %run_scoped3A_38 = arith.constant 3 : i32
    "tpu.region"() ({
      %run_scoped3A_75 = tpu.sem_alloc : memref<!tpu.dma_semaphore, #tpu.memory_space<semaphore_mem>>
      %dma_start3A = arith.constant 0 : i32
      %dma_start3A_76 = tpu.memref_slice %arg5[%run_scoped3A_38, %dma_start3A] : memref<6x16384xi32, #tpu.memory_space<hbm>> -> memref<1x16384xi32, #tpu.memory_space<hbm>>
      %dma_start3A_77 = tpu.memref_squeeze %dma_start3A_76 : memref<1x16384xi32, #tpu.memory_space<hbm>> -> memref<16384xi32, #tpu.memory_space<hbm>>
      %dma_start3A_78 = arith.constant 0 : i32
      %dma_start3A_79 = tpu.memref_slice %arg5[%run_scoped3A_38, %dma_start3A_78] : memref<6x16384xi32, #tpu.memory_space<hbm>> -> memref<1x16384xi32, #tpu.memory_space<hbm>>
      %dma_start3A_80 = tpu.memref_squeeze %dma_start3A_79 : memref<1x16384xi32, #tpu.memory_space<hbm>> -> memref<16384xi32, #tpu.memory_space<hbm>>
      tpu.enqueue_dma source(%dma_start3A_80 : memref<16384xi32, #tpu.memory_space<hbm>>) target(%arg14 : memref<16384xi32, #tpu.memory_space<vmem>>) target_semaphore(%run_scoped3A_75 : memref<!tpu.dma_semaphore, #tpu.memory_space<semaphore_mem>>)
      %dma_wait3A_81 = arith.constant 0 : i32
      %dma_wait3A_82 = tpu.memref_slice %arg5[%run_scoped3A_38, %dma_wait3A_81] : memref<6x16384xi32, #tpu.memory_space<hbm>> -> memref<1x16384xi32, #tpu.memory_space<hbm>>
      %dma_wait3A_83 = tpu.memref_squeeze %dma_wait3A_82 : memref<1x16384xi32, #tpu.memory_space<hbm>> -> memref<16384xi32, #tpu.memory_space<hbm>>
      %dma_wait3A_84 = arith.constant 0 : i32
      %dma_wait3A_85 = tpu.memref_slice %arg5[%run_scoped3A_38, %dma_wait3A_84] : memref<6x16384xi32, #tpu.memory_space<hbm>> -> memref<1x16384xi32, #tpu.memory_space<hbm>>
      %dma_wait3A_86 = tpu.memref_squeeze %dma_wait3A_85 : memref<1x16384xi32, #tpu.memory_space<hbm>> -> memref<16384xi32, #tpu.memory_space<hbm>>
      tpu.wait_dma2 semaphore(%run_scoped3A_75 : memref<!tpu.dma_semaphore, #tpu.memory_space<semaphore_mem>>) src(%dma_wait3A_86 : memref<16384xi32, #tpu.memory_space<hbm>>) dst(%arg14 : memref<16384xi32, #tpu.memory_space<vmem>>)
      tpu.yield
    }) : () -> ()
    %run_scoped3A_39 = arith.constant 4 : i32
    "tpu.region"() ({
      %run_scoped3A_75 = tpu.sem_alloc : memref<!tpu.dma_semaphore, #tpu.memory_space<semaphore_mem>>
      %dma_start3A = arith.constant 0 : i32
      %dma_start3A_76 = tpu.memref_slice %arg5[%run_scoped3A_39, %dma_start3A] : memref<6x16384xi32, #tpu.memory_space<hbm>> -> memref<1x16384xi32, #tpu.memory_space<hbm>>
      %dma_start3A_77 = tpu.memref_squeeze %dma_start3A_76 : memref<1x16384xi32, #tpu.memory_space<hbm>> -> memref<16384xi32, #tpu.memory_space<hbm>>
      %dma_start3A_78 = arith.constant 0 : i32
      %dma_start3A_79 = tpu.memref_slice %arg5[%run_scoped3A_39, %dma_start3A_78] : memref<6x16384xi32, #tpu.memory_space<hbm>> -> memref<1x16384xi32, #tpu.memory_space<hbm>>
      %dma_start3A_80 = tpu.memref_squeeze %dma_start3A_79 : memref<1x16384xi32, #tpu.memory_space<hbm>> -> memref<16384xi32, #tpu.memory_space<hbm>>
      tpu.enqueue_dma source(%dma_start3A_80 : memref<16384xi32, #tpu.memory_space<hbm>>) target(%arg15 : memref<16384xi32, #tpu.memory_space<vmem>>) target_semaphore(%run_scoped3A_75 : memref<!tpu.dma_semaphore, #tpu.memory_space<semaphore_mem>>)
      %dma_wait3A_81 = arith.constant 0 : i32
      %dma_wait3A_82 = tpu.memref_slice %arg5[%run_scoped3A_39, %dma_wait3A_81] : memref<6x16384xi32, #tpu.memory_space<hbm>> -> memref<1x16384xi32, #tpu.memory_space<hbm>>
      %dma_wait3A_83 = tpu.memref_squeeze %dma_wait3A_82 : memref<1x16384xi32, #tpu.memory_space<hbm>> -> memref<16384xi32, #tpu.memory_space<hbm>>
      %dma_wait3A_84 = arith.constant 0 : i32
      %dma_wait3A_85 = tpu.memref_slice %arg5[%run_scoped3A_39, %dma_wait3A_84] : memref<6x16384xi32, #tpu.memory_space<hbm>> -> memref<1x16384xi32, #tpu.memory_space<hbm>>
      %dma_wait3A_86 = tpu.memref_squeeze %dma_wait3A_85 : memref<1x16384xi32, #tpu.memory_space<hbm>> -> memref<16384xi32, #tpu.memory_space<hbm>>
      tpu.wait_dma2 semaphore(%run_scoped3A_75 : memref<!tpu.dma_semaphore, #tpu.memory_space<semaphore_mem>>) src(%dma_wait3A_86 : memref<16384xi32, #tpu.memory_space<hbm>>) dst(%arg15 : memref<16384xi32, #tpu.memory_space<vmem>>)
      tpu.yield
    }) : () -> ()
    %run_scoped3A_40 = arith.constant 5 : i32
    "tpu.region"() ({
      %run_scoped3A_75 = tpu.sem_alloc : memref<!tpu.dma_semaphore, #tpu.memory_space<semaphore_mem>>
      %dma_start3A = arith.constant 0 : i32
      %dma_start3A_76 = tpu.memref_slice %arg5[%run_scoped3A_40, %dma_start3A] : memref<6x16384xi32, #tpu.memory_space<hbm>> -> memref<1x16384xi32, #tpu.memory_space<hbm>>
      %dma_start3A_77 = tpu.memref_squeeze %dma_start3A_76 : memref<1x16384xi32, #tpu.memory_space<hbm>> -> memref<16384xi32, #tpu.memory_space<hbm>>
      %dma_start3A_78 = arith.constant 0 : i32
      %dma_start3A_79 = tpu.memref_slice %arg5[%run_scoped3A_40, %dma_start3A_78] : memref<6x16384xi32, #tpu.memory_space<hbm>> -> memref<1x16384xi32, #tpu.memory_space<hbm>>
      %dma_start3A_80 = tpu.memref_squeeze %dma_start3A_79 : memref<1x16384xi32, #tpu.memory_space<hbm>> -> memref<16384xi32, #tpu.memory_space<hbm>>
      tpu.enqueue_dma source(%dma_start3A_80 : memref<16384xi32, #tpu.memory_space<hbm>>) target(%arg16 : memref<16384xi32, #tpu.memory_space<vmem>>) target_semaphore(%run_scoped3A_75 : memref<!tpu.dma_semaphore, #tpu.memory_space<semaphore_mem>>)
      %dma_wait3A_81 = arith.constant 0 : i32
      %dma_wait3A_82 = tpu.memref_slice %arg5[%run_scoped3A_40, %dma_wait3A_81] : memref<6x16384xi32, #tpu.memory_space<hbm>> -> memref<1x16384xi32, #tpu.memory_space<hbm>>
      %dma_wait3A_83 = tpu.memref_squeeze %dma_wait3A_82 : memref<1x16384xi32, #tpu.memory_space<hbm>> -> memref<16384xi32, #tpu.memory_space<hbm>>
      %dma_wait3A_84 = arith.constant 0 : i32
      %dma_wait3A_85 = tpu.memref_slice %arg5[%run_scoped3A_40, %dma_wait3A_84] : memref<6x16384xi32, #tpu.memory_space<hbm>> -> memref<1x16384xi32, #tpu.memory_space<hbm>>
      %dma_wait3A_86 = tpu.memref_squeeze %dma_wait3A_85 : memref<1x16384xi32, #tpu.memory_space<hbm>> -> memref<16384xi32, #tpu.memory_space<hbm>>
      tpu.wait_dma2 semaphore(%run_scoped3A_75 : memref<!tpu.dma_semaphore, #tpu.memory_space<semaphore_mem>>) src(%dma_wait3A_86 : memref<16384xi32, #tpu.memory_space<hbm>>) dst(%arg16 : memref<16384xi32, #tpu.memory_space<vmem>>)
      tpu.yield
    }) : () -> ()
    %scan3A = arith.constant 0 : i32
    %scan3A_41 = arith.constant 64 : i32
    %scan3A_42 = arith.addi %scan3A, %scan3A_41 : i32
    %scan3A_43 = arith.constant 1 : i32
    scf.for %scan3A_75 = %scan3A to %scan3A_42 step %scan3A_43  : i32 {
      %mul3A_76 = arith.constant 16 : i32
      %mul3A_77 = arith.muli %scan3A_75, %mul3A_76 : i32
      %add3A_78 = arith.constant 0 : i32
      %add3A_79 = arith.addi %add3A_78, %mul3A_77 : i32
      %get3A = arith.index_cast %add3A_79 : i32 to index
      %get3A_80 = tpu.vector_load %arg7[%get3A] {strides = array<i32>} : memref<1024xf32, #tpu.memory_space<vmem>>, vector<16xf32>,
      %mul3A_81 = arith.constant 1.280000e+02 : f32
      %mul3A_82 = vector.broadcast %mul3A_81 : f32 to vector<16xf32>
      %mul3A_83 = arith.mulf %get3A_80, %mul3A_82 : vector<16xf32>
      %convert_element_type3A = arith.fptosi %mul3A_83 : vector<16xf32> to vector<16xi32>
      %get3A_84 = arith.index_cast %add3A_79 : i32 to index
      %get3A_85 = tpu.vector_load %arg8[%get3A_84] {strides = array<i32>} : memref<1024xf32, #tpu.memory_space<vmem>>, vector<16xf32>,
      %mul3A_86 = arith.constant 1.280000e+02 : f32
      %mul3A_87 = vector.broadcast %mul3A_86 : f32 to vector<16xf32>
      %mul3A_88 = arith.mulf %get3A_85, %mul3A_87 : vector<16xf32>
      %convert_element_type3A_89 = arith.fptosi %mul3A_88 : vector<16xf32> to vector<16xi32>
      %mul3A_90 = arith.constant 256 : i32
      %mul3A_91 = vector.broadcast %mul3A_90 : i32 to vector<16xi32>
      %mul3A_92 = arith.muli %convert_element_type3A, %mul3A_91 : vector<16xi32>
      %add3A_93 = arith.addi %mul3A_92, %convert_element_type3A_89 : vector<16xi32>
      %swap3A = arith.index_cast %add3A_79 : i32 to index
      %swap3A_94 = tpu.vector_load %arg9[%swap3A] {strides = array<i32>} : memref<1024xi32, #tpu.memory_space<vmem>>, vector<16xi32>,
      tpu.vector_store %arg9[%swap3A], %add3A_93 {strides = array<i32>} : memref<1024xi32, #tpu.memory_space<vmem>>, vector<16xi32>,
    }
    %scan3A_44 = arith.constant 64 : i32
    %iota3A = tpu.iota {dimensions = array<i32: 0>} : vector<16xi32>
    %mul3A_45 = arith.constant 32 : i32
    %mul3A_46 = vector.broadcast %mul3A_45 : i32 to vector<16xi32>
    %mul3A_47 = arith.muli %iota3A, %mul3A_46 : vector<16xi32>
    %scan3A_48 = arith.constant -65536 : i32
    %scan3A_49 = arith.constant 0 : i32
    %scan3A_50 = arith.constant 64 : i32
    %scan3A_51 = arith.addi %scan3A_49, %scan3A_50 : i32
    %scan3A_52 = arith.constant 1 : i32
    scf.for %scan3A_75 = %scan3A_49 to %scan3A_51 step %scan3A_52  : i32 {
      %mul3A_76 = arith.constant 2 : i32
      %mul3A_77 = arith.muli %scan3A_75, %mul3A_76 : i32
      %add3A_78 = arith.constant 0 : i32
      %add3A_79 = arith.addi %add3A_78, %mul3A_77 : i32
      %add3A_80 = arith.addi %mul3A_32, %add3A_79 : i32
      %add3A_81 = arith.constant 0 : i32
      %add3A_82 = arith.addi %add3A_80, %add3A_81 : i32
      %add3A_83 = arith.addi %add3A_35, %add3A_79 : i32
      %add3A_84 = arith.constant 0 : i32
      %add3A_85 = arith.addi %add3A_83, %add3A_84 : i32
      %ge3A = arith.constant 2 : i32
      %ge3A_86 = arith.cmpi sge, %add3A_79, %ge3A : i32
      %convert_element_type3A = arith.extui %ge3A_86 : i1 to i32
      %cond3A = arith.constant 0 : i32
      %cond3A_87 = arith.cmpi ne, %convert_element_type3A, %cond3A : i32
      scf.if %cond3A_87 {
        %dma_wait3A_303 = arith.constant 0 : i32
        %dma_wait3A_304 = arith.constant 0 : i32
        %dma_wait3A_305 = tpu.memref_slice %arg11[%dma_wait3A_304] : memref<16384xi32, #tpu.memory_space<vmem>> -> memref<12288xi32, #tpu.memory_space<vmem>>
        %dma_wait3A_306 = arith.constant 0 : i32
        %dma_wait3A_307 = tpu.memref_slice %arg5[%dma_wait3A_303, %dma_wait3A_306] : memref<6x16384xi32, #tpu.memory_space<hbm>> -> memref<1x12288xi32, #tpu.memory_space<hbm>>
        %dma_wait3A_308 = tpu.memref_squeeze %dma_wait3A_307 : memref<1x12288xi32, #tpu.memory_space<hbm>> -> memref<12288xi32, #tpu.memory_space<hbm>>
        %dma_wait3A_309 = arith.constant 0 : i32
        %dma_wait3A_310 = tpu.memref_slice %arg11[%dma_wait3A_309] : memref<16384xi32, #tpu.memory_space<vmem>> -> memref<12288xi32, #tpu.memory_space<vmem>>
        %dma_wait3A_311 = arith.constant 0 : i32
        %dma_wait3A_312 = tpu.memref_slice %arg5[%dma_wait3A_303, %dma_wait3A_311] : memref<6x16384xi32, #tpu.memory_space<hbm>> -> memref<1x12288xi32, #tpu.memory_space<hbm>>
        %dma_wait3A_313 = tpu.memref_squeeze %dma_wait3A_312 : memref<1x12288xi32, #tpu.memory_space<hbm>> -> memref<12288xi32, #tpu.memory_space<hbm>>
        tpu.wait_dma2 semaphore(%arg41 : memref<!tpu.dma_semaphore, #tpu.memory_space<semaphore_mem>>) src(%dma_wait3A_313 : memref<12288xi32, #tpu.memory_space<hbm>>) dst(%dma_wait3A_310 : memref<12288xi32, #tpu.memory_space<vmem>>)
      } else {
      }
      %broadcast_in_dim3A = vector.broadcast %add3A_82 : i32 to vector<16xi32>
      %gather3A = tpu.vector_load_idx %arg9[%broadcast_in_dim3A] : memref<1024xi32, #tpu.memory_space<vmem>>[vector<16xi32>], vector<16xi32>,
      %add3A_88 = arith.constant 32639 : i32
      %add3A_89 = vector.broadcast %add3A_88 : i32 to vector<16xi32>
      %add3A_90 = arith.addi %gather3A, %add3A_89 : vector<16xi32>
      %parallel_loop3A = arith.constant 0 : i32
      %parallel_loop3A_91 = arith.constant 1024 : i32
      %parallel_loop3A_92 = arith.constant 16 : i32
      scf.for %parallel_loop3A_303 = %parallel_loop3A to %parallel_loop3A_91 step %parallel_loop3A_92  : i32 {
        %parallel_loop3A_304 = arith.index_cast %parallel_loop3A_303 : i32 to index
        %parallel_loop3A_305 = tpu.vector_load %arg9[%parallel_loop3A_304] {strides = array<i32>} : memref<1024xi32, #tpu.memory_space<vmem>>, vector<16xi32>,
        %parallel_loop3A_306 = arith.subi %add3A_90, %parallel_loop3A_305 : vector<16xi32>
        %parallel_loop3A_307 = arith.constant 255 : i32
        %parallel_loop3A_308 = vector.broadcast %parallel_loop3A_307 : i32 to vector<16xi32>
        %parallel_loop3A_309 = arith.andi %parallel_loop3A_306, %parallel_loop3A_308 : vector<16xi32>
        %parallel_loop3A_310 = arith.constant 4 : i32
        %parallel_loop3A_311 = vector.broadcast %parallel_loop3A_310 : i32 to vector<16xi32>
        %parallel_loop3A_312 = arith.shli %parallel_loop3A_309, %parallel_loop3A_311 : vector<16xi32>
        %parallel_loop3A_313 = arith.addi %parallel_loop3A_312, %iota3A : vector<16xi32>
        %parallel_loop3A_314 = arith.constant 4 : i32
        %parallel_loop3A_315 = vector.broadcast %parallel_loop3A_314 : i32 to vector<16xi32>
        %parallel_loop3A_316 = arith.shrsi %parallel_loop3A_306, %parallel_loop3A_315 : vector<16xi32>
        %parallel_loop3A_317 = arith.constant 4080 : i32
        %parallel_loop3A_318 = vector.broadcast %parallel_loop3A_317 : i32 to vector<16xi32>
        %parallel_loop3A_319 = arith.andi %parallel_loop3A_316, %parallel_loop3A_318 : vector<16xi32>
        %parallel_loop3A_320 = arith.addi %parallel_loop3A_319, %iota3A : vector<16xi32>
        %parallel_loop3A_321 = tpu.vector_load_idx %arg10[%parallel_loop3A_320] : memref<4096xi32, #tpu.memory_space<vmem>>[vector<16xi32>], vector<16xi32>,
        %parallel_loop3A_322 = tpu.vector_load_idx %arg10[%parallel_loop3A_313] : memref<4096xi32, #tpu.memory_space<vmem>>[vector<16xi32>], vector<16xi32>,
        %parallel_loop3A_323 = arith.constant 5 : i32
        %parallel_loop3A_324 = vector.broadcast %parallel_loop3A_323 : i32 to vector<16xi32>
        %parallel_loop3A_325 = arith.shli %parallel_loop3A_321, %parallel_loop3A_324 : vector<16xi32>
        %parallel_loop3A_326 = arith.addi %parallel_loop3A_325, %parallel_loop3A_322 : vector<16xi32>
        %parallel_loop3A_327 = arith.subi %parallel_loop3A_326, %mul3A_47 : vector<16xi32>
        %parallel_loop3A_328 = tpu.vector_load_idx %arg11[%parallel_loop3A_327] : memref<16384xi32, #tpu.memory_space<vmem>>[vector<16xi32>], vector<16xi32>,
        %parallel_loop3A_329 = vector.broadcast %scan3A_48 : i32 to vector<16xi32>
        %parallel_loop3A_330 = arith.andi %parallel_loop3A_328, %parallel_loop3A_329 : vector<16xi32>
        %parallel_loop3A_331 = vector.bitcast %parallel_loop3A_330 : vector<16xi32> to vector<16xf32>
        %parallel_loop3A_332 = arith.index_cast %parallel_loop3A_303 : i32 to index
        %parallel_loop3A_333 = tpu.vector_load %arg17[%parallel_loop3A_332] {strides = array<i32>} : memref<1024xf32, #tpu.memory_space<vmem>>, vector<16xf32>,
        tpu.vector_store %arg17[%parallel_loop3A_332], %parallel_loop3A_331 {strides = array<i32>} : memref<1024xf32, #tpu.memory_space<vmem>>, vector<16xf32>,
        %parallel_loop3A_334 = arith.constant 16 : i32
        %parallel_loop3A_335 = vector.broadcast %parallel_loop3A_334 : i32 to vector<16xi32>
        %parallel_loop3A_336 = arith.shli %parallel_loop3A_328, %parallel_loop3A_335 : vector<16xi32>
        %parallel_loop3A_337 = vector.bitcast %parallel_loop3A_336 : vector<16xi32> to vector<16xf32>
        %parallel_loop3A_338 = arith.index_cast %parallel_loop3A_303 : i32 to index
        %parallel_loop3A_339 = tpu.vector_load %arg18[%parallel_loop3A_338] {strides = array<i32>} : memref<1024xf32, #tpu.memory_space<vmem>>, vector<16xf32>,
        tpu.vector_store %arg18[%parallel_loop3A_338], %parallel_loop3A_337 {strides = array<i32>} : memref<1024xf32, #tpu.memory_space<vmem>>, vector<16xf32>,
        %parallel_loop3A_340 = tpu.vector_load_idx %arg12[%parallel_loop3A_327] : memref<16384xi32, #tpu.memory_space<vmem>>[vector<16xi32>], vector<16xi32>,
        %parallel_loop3A_341 = vector.broadcast %scan3A_48 : i32 to vector<16xi32>
        %parallel_loop3A_342 = arith.andi %parallel_loop3A_340, %parallel_loop3A_341 : vector<16xi32>
        %parallel_loop3A_343 = vector.bitcast %parallel_loop3A_342 : vector<16xi32> to vector<16xf32>
        %parallel_loop3A_344 = arith.index_cast %parallel_loop3A_303 : i32 to index
        %parallel_loop3A_345 = tpu.vector_load %arg19[%parallel_loop3A_344] {strides = array<i32>} : memref<1024xf32, #tpu.memory_space<vmem>>, vector<16xf32>,
        tpu.vector_store %arg19[%parallel_loop3A_344], %parallel_loop3A_343 {strides = array<i32>} : memref<1024xf32, #tpu.memory_space<vmem>>, vector<16xf32>,
        %parallel_loop3A_346 = arith.constant 16 : i32
        %parallel_loop3A_347 = vector.broadcast %parallel_loop3A_346 : i32 to vector<16xi32>
        %parallel_loop3A_348 = arith.shli %parallel_loop3A_340, %parallel_loop3A_347 : vector<16xi32>
        %parallel_loop3A_349 = vector.bitcast %parallel_loop3A_348 : vector<16xi32> to vector<16xf32>
        %parallel_loop3A_350 = arith.index_cast %parallel_loop3A_303 : i32 to index
        %parallel_loop3A_351 = tpu.vector_load %arg20[%parallel_loop3A_350] {strides = array<i32>} : memref<1024xf32, #tpu.memory_space<vmem>>, vector<16xf32>,
        tpu.vector_store %arg20[%parallel_loop3A_350], %parallel_loop3A_349 {strides = array<i32>} : memref<1024xf32, #tpu.memory_space<vmem>>, vector<16xf32>,
        %parallel_loop3A_352 = tpu.vector_load_idx %arg13[%parallel_loop3A_327] : memref<16384xi32, #tpu.memory_space<vmem>>[vector<16xi32>], vector<16xi32>,
        %parallel_loop3A_353 = vector.broadcast %scan3A_48 : i32 to vector<16xi32>
        %parallel_loop3A_354 = arith.andi %parallel_loop3A_352, %parallel_loop3A_353 : vector<16xi32>
        %parallel_loop3A_355 = vector.bitcast %parallel_loop3A_354 : vector<16xi32> to vector<16xf32>
        %parallel_loop3A_356 = arith.index_cast %parallel_loop3A_303 : i32 to index
        %parallel_loop3A_357 = tpu.vector_load %arg21[%parallel_loop3A_356] {strides = array<i32>} : memref<1024xf32, #tpu.memory_space<vmem>>, vector<16xf32>,
        tpu.vector_store %arg21[%parallel_loop3A_356], %parallel_loop3A_355 {strides = array<i32>} : memref<1024xf32, #tpu.memory_space<vmem>>, vector<16xf32>,
        %parallel_loop3A_358 = arith.constant 16 : i32
        %parallel_loop3A_359 = vector.broadcast %parallel_loop3A_358 : i32 to vector<16xi32>
        %parallel_loop3A_360 = arith.shli %parallel_loop3A_352, %parallel_loop3A_359 : vector<16xi32>
        %parallel_loop3A_361 = vector.bitcast %parallel_loop3A_360 : vector<16xi32> to vector<16xf32>
        %parallel_loop3A_362 = arith.index_cast %parallel_loop3A_303 : i32 to index
        %parallel_loop3A_363 = tpu.vector_load %arg22[%parallel_loop3A_362] {strides = array<i32>} : memref<1024xf32, #tpu.memory_space<vmem>>, vector<16xf32>,
        tpu.vector_store %arg22[%parallel_loop3A_362], %parallel_loop3A_361 {strides = array<i32>} : memref<1024xf32, #tpu.memory_space<vmem>>, vector<16xf32>,
        %parallel_loop3A_364 = tpu.vector_load_idx %arg14[%parallel_loop3A_327] : memref<16384xi32, #tpu.memory_space<vmem>>[vector<16xi32>], vector<16xi32>,
        %parallel_loop3A_365 = vector.broadcast %scan3A_48 : i32 to vector<16xi32>
        %parallel_loop3A_366 = arith.andi %parallel_loop3A_364, %parallel_loop3A_365 : vector<16xi32>
        %parallel_loop3A_367 = vector.bitcast %parallel_loop3A_366 : vector<16xi32> to vector<16xf32>
        %parallel_loop3A_368 = arith.index_cast %parallel_loop3A_303 : i32 to index
        %parallel_loop3A_369 = tpu.vector_load %arg23[%parallel_loop3A_368] {strides = array<i32>} : memref<1024xf32, #tpu.memory_space<vmem>>, vector<16xf32>,
        tpu.vector_store %arg23[%parallel_loop3A_368], %parallel_loop3A_367 {strides = array<i32>} : memref<1024xf32, #tpu.memory_space<vmem>>, vector<16xf32>,
        %parallel_loop3A_370 = arith.constant 16 : i32
        %parallel_loop3A_371 = vector.broadcast %parallel_loop3A_370 : i32 to vector<16xi32>
        %parallel_loop3A_372 = arith.shli %parallel_loop3A_364, %parallel_loop3A_371 : vector<16xi32>
        %parallel_loop3A_373 = vector.bitcast %parallel_loop3A_372 : vector<16xi32> to vector<16xf32>
        %parallel_loop3A_374 = arith.index_cast %parallel_loop3A_303 : i32 to index
        %parallel_loop3A_375 = tpu.vector_load %arg24[%parallel_loop3A_374] {strides = array<i32>} : memref<1024xf32, #tpu.memory_space<vmem>>, vector<16xf32>,
        tpu.vector_store %arg24[%parallel_loop3A_374], %parallel_loop3A_373 {strides = array<i32>} : memref<1024xf32, #tpu.memory_space<vmem>>, vector<16xf32>,
        %parallel_loop3A_376 = tpu.vector_load_idx %arg15[%parallel_loop3A_327] : memref<16384xi32, #tpu.memory_space<vmem>>[vector<16xi32>], vector<16xi32>,
        %parallel_loop3A_377 = vector.broadcast %scan3A_48 : i32 to vector<16xi32>
        %parallel_loop3A_378 = arith.andi %parallel_loop3A_376, %parallel_loop3A_377 : vector<16xi32>
        %parallel_loop3A_379 = vector.bitcast %parallel_loop3A_378 : vector<16xi32> to vector<16xf32>
        %parallel_loop3A_380 = arith.index_cast %parallel_loop3A_303 : i32 to index
        %parallel_loop3A_381 = tpu.vector_load %arg25[%parallel_loop3A_380] {strides = array<i32>} : memref<1024xf32, #tpu.memory_space<vmem>>, vector<16xf32>,
        tpu.vector_store %arg25[%parallel_loop3A_380], %parallel_loop3A_379 {strides = array<i32>} : memref<1024xf32, #tpu.memory_space<vmem>>, vector<16xf32>,
        %parallel_loop3A_382 = arith.constant 16 : i32
        %parallel_loop3A_383 = vector.broadcast %parallel_loop3A_382 : i32 to vector<16xi32>
        %parallel_loop3A_384 = arith.shli %parallel_loop3A_376, %parallel_loop3A_383 : vector<16xi32>
        %parallel_loop3A_385 = vector.bitcast %parallel_loop3A_384 : vector<16xi32> to vector<16xf32>
        %parallel_loop3A_386 = arith.index_cast %parallel_loop3A_303 : i32 to index
        %parallel_loop3A_387 = tpu.vector_load %arg26[%parallel_loop3A_386] {strides = array<i32>} : memref<1024xf32, #tpu.memory_space<vmem>>, vector<16xf32>,
        tpu.vector_store %arg26[%parallel_loop3A_386], %parallel_loop3A_385 {strides = array<i32>} : memref<1024xf32, #tpu.memory_space<vmem>>, vector<16xf32>,
        %parallel_loop3A_388 = tpu.vector_load_idx %arg16[%parallel_loop3A_327] : memref<16384xi32, #tpu.memory_space<vmem>>[vector<16xi32>], vector<16xi32>,
        %parallel_loop3A_389 = vector.broadcast %scan3A_48 : i32 to vector<16xi32>
        %parallel_loop3A_390 = arith.andi %parallel_loop3A_388, %parallel_loop3A_389 : vector<16xi32>
        %parallel_loop3A_391 = vector.bitcast %parallel_loop3A_390 : vector<16xi32> to vector<16xf32>
        %parallel_loop3A_392 = arith.index_cast %parallel_loop3A_303 : i32 to index
        %parallel_loop3A_393 = tpu.vector_load %arg27[%parallel_loop3A_392] {strides = array<i32>} : memref<1024xf32, #tpu.memory_space<vmem>>, vector<16xf32>,
        tpu.vector_store %arg27[%parallel_loop3A_392], %parallel_loop3A_391 {strides = array<i32>} : memref<1024xf32, #tpu.memory_space<vmem>>, vector<16xf32>,
        %parallel_loop3A_394 = arith.constant 16 : i32
        %parallel_loop3A_395 = vector.broadcast %parallel_loop3A_394 : i32 to vector<16xi32>
        %parallel_loop3A_396 = arith.shli %parallel_loop3A_388, %parallel_loop3A_395 : vector<16xi32>
        %parallel_loop3A_397 = vector.bitcast %parallel_loop3A_396 : vector<16xi32> to vector<16xf32>
        %parallel_loop3A_398 = arith.index_cast %parallel_loop3A_303 : i32 to index
        %parallel_loop3A_399 = tpu.vector_load %arg28[%parallel_loop3A_398] {strides = array<i32>} : memref<1024xf32, #tpu.memory_space<vmem>>, vector<16xf32>,
        tpu.vector_store %arg28[%parallel_loop3A_398], %parallel_loop3A_397 {strides = array<i32>} : memref<1024xf32, #tpu.memory_space<vmem>>, vector<16xf32>,
      } {sc.loop_unroll_factor = 4 : i64, sc.parallel_access}
      %add3A_93 = arith.constant 0 : i32
      %add3A_94 = arith.addi %add3A_85, %add3A_93 : i32
      %dma_start3A = arith.constant 0 : i32
      %dma_start3A_95 = tpu.memref_slice %arg6[%add3A_94, %dma_start3A] : memref<49152x1024xf32, #tpu.memory_space<hbm>> -> memref<1x1024xf32, #tpu.memory_space<hbm>>
      %dma_start3A_96 = tpu.memref_squeeze %dma_start3A_95 : memref<1x1024xf32, #tpu.memory_space<hbm>> -> memref<1024xf32, #tpu.memory_space<hbm>>
      %dma_start3A_97 = arith.constant 0 : i32
      %dma_start3A_98 = tpu.memref_slice %arg6[%add3A_94, %dma_start3A_97] : memref<49152x1024xf32, #tpu.memory_space<hbm>> -> memref<1x1024xf32, #tpu.memory_space<hbm>>
      %dma_start3A_99 = tpu.memref_squeeze %dma_start3A_98 : memref<1x1024xf32, #tpu.memory_space<hbm>> -> memref<1024xf32, #tpu.memory_space<hbm>>
      tpu.enqueue_dma source(%arg17 : memref<1024xf32, #tpu.memory_space<vmem>>) target(%dma_start3A_99 : memref<1024xf32, #tpu.memory_space<hbm>>) target_semaphore(%arg41 : memref<!tpu.dma_semaphore, #tpu.memory_space<semaphore_mem>>)
      %add3A_100 = arith.constant 1024 : i32
      %add3A_101 = arith.addi %add3A_85, %add3A_100 : i32
      %dma_start3A_102 = arith.constant 0 : i32
      %dma_start3A_103 = tpu.memref_slice %arg6[%add3A_101, %dma_start3A_102] : memref<49152x1024xf32, #tpu.memory_space<hbm>> -> memref<1x1024xf32, #tpu.memory_space<hbm>>
      %dma_start3A_104 = tpu.memref_squeeze %dma_start3A_103 : memref<1x1024xf32, #tpu.memory_space<hbm>> -> memref<1024xf32, #tpu.memory_space<hbm>>
      %dma_start3A_105 = arith.constant 0 : i32
      %dma_start3A_106 = tpu.memref_slice %arg6[%add3A_101, %dma_start3A_105] : memref<49152x1024xf32, #tpu.memory_space<hbm>> -> memref<1x1024xf32, #tpu.memory_space<hbm>>
      %dma_start3A_107 = tpu.memref_squeeze %dma_start3A_106 : memref<1x1024xf32, #tpu.memory_space<hbm>> -> memref<1024xf32, #tpu.memory_space<hbm>>
      tpu.enqueue_dma source(%arg18 : memref<1024xf32, #tpu.memory_space<vmem>>) target(%dma_start3A_107 : memref<1024xf32, #tpu.memory_space<hbm>>) target_semaphore(%arg41 : memref<!tpu.dma_semaphore, #tpu.memory_space<semaphore_mem>>)
      %add3A_108 = arith.constant 2048 : i32
      %add3A_109 = arith.addi %add3A_85, %add3A_108 : i32
      %dma_start3A_110 = arith.constant 0 : i32
      %dma_start3A_111 = tpu.memref_slice %arg6[%add3A_109, %dma_start3A_110] : memref<49152x1024xf32, #tpu.memory_space<hbm>> -> memref<1x1024xf32, #tpu.memory_space<hbm>>
      %dma_start3A_112 = tpu.memref_squeeze %dma_start3A_111 : memref<1x1024xf32, #tpu.memory_space<hbm>> -> memref<1024xf32, #tpu.memory_space<hbm>>
      %dma_start3A_113 = arith.constant 0 : i32
      %dma_start3A_114 = tpu.memref_slice %arg6[%add3A_109, %dma_start3A_113] : memref<49152x1024xf32, #tpu.memory_space<hbm>> -> memref<1x1024xf32, #tpu.memory_space<hbm>>
      %dma_start3A_115 = tpu.memref_squeeze %dma_start3A_114 : memref<1x1024xf32, #tpu.memory_space<hbm>> -> memref<1024xf32, #tpu.memory_space<hbm>>
      tpu.enqueue_dma source(%arg19 : memref<1024xf32, #tpu.memory_space<vmem>>) target(%dma_start3A_115 : memref<1024xf32, #tpu.memory_space<hbm>>) target_semaphore(%arg41 : memref<!tpu.dma_semaphore, #tpu.memory_space<semaphore_mem>>)
      %add3A_116 = arith.constant 3072 : i32
      %add3A_117 = arith.addi %add3A_85, %add3A_116 : i32
      %dma_start3A_118 = arith.constant 0 : i32
      %dma_start3A_119 = tpu.memref_slice %arg6[%add3A_117, %dma_start3A_118] : memref<49152x1024xf32, #tpu.memory_space<hbm>> -> memref<1x1024xf32, #tpu.memory_space<hbm>>
      %dma_start3A_120 = tpu.memref_squeeze %dma_start3A_119 : memref<1x1024xf32, #tpu.memory_space<hbm>> -> memref<1024xf32, #tpu.memory_space<hbm>>
      %dma_start3A_121 = arith.constant 0 : i32
      %dma_start3A_122 = tpu.memref_slice %arg6[%add3A_117, %dma_start3A_121] : memref<49152x1024xf32, #tpu.memory_space<hbm>> -> memref<1x1024xf32, #tpu.memory_space<hbm>>
      %dma_start3A_123 = tpu.memref_squeeze %dma_start3A_122 : memref<1x1024xf32, #tpu.memory_space<hbm>> -> memref<1024xf32, #tpu.memory_space<hbm>>
      tpu.enqueue_dma source(%arg20 : memref<1024xf32, #tpu.memory_space<vmem>>) target(%dma_start3A_123 : memref<1024xf32, #tpu.memory_space<hbm>>) target_semaphore(%arg41 : memref<!tpu.dma_semaphore, #tpu.memory_space<semaphore_mem>>)
      %add3A_124 = arith.constant 4096 : i32
      %add3A_125 = arith.addi %add3A_85, %add3A_124 : i32
      %dma_start3A_126 = arith.constant 0 : i32
      %dma_start3A_127 = tpu.memref_slice %arg6[%add3A_125, %dma_start3A_126] : memref<49152x1024xf32, #tpu.memory_space<hbm>> -> memref<1x1024xf32, #tpu.memory_space<hbm>>
      %dma_start3A_128 = tpu.memref_squeeze %dma_start3A_127 : memref<1x1024xf32, #tpu.memory_space<hbm>> -> memref<1024xf32, #tpu.memory_space<hbm>>
      %dma_start3A_129 = arith.constant 0 : i32
      %dma_start3A_130 = tpu.memref_slice %arg6[%add3A_125, %dma_start3A_129] : memref<49152x1024xf32, #tpu.memory_space<hbm>> -> memref<1x1024xf32, #tpu.memory_space<hbm>>
      %dma_start3A_131 = tpu.memref_squeeze %dma_start3A_130 : memref<1x1024xf32, #tpu.memory_space<hbm>> -> memref<1024xf32, #tpu.memory_space<hbm>>
      tpu.enqueue_dma source(%arg21 : memref<1024xf32, #tpu.memory_space<vmem>>) target(%dma_start3A_131 : memref<1024xf32, #tpu.memory_space<hbm>>) target_semaphore(%arg41 : memref<!tpu.dma_semaphore, #tpu.memory_space<semaphore_mem>>)
      %add3A_132 = arith.constant 5120 : i32
      %add3A_133 = arith.addi %add3A_85, %add3A_132 : i32
      %dma_start3A_134 = arith.constant 0 : i32
      %dma_start3A_135 = tpu.memref_slice %arg6[%add3A_133, %dma_start3A_134] : memref<49152x1024xf32, #tpu.memory_space<hbm>> -> memref<1x1024xf32, #tpu.memory_space<hbm>>
      %dma_start3A_136 = tpu.memref_squeeze %dma_start3A_135 : memref<1x1024xf32, #tpu.memory_space<hbm>> -> memref<1024xf32, #tpu.memory_space<hbm>>
      %dma_start3A_137 = arith.constant 0 : i32
      %dma_start3A_138 = tpu.memref_slice %arg6[%add3A_133, %dma_start3A_137] : memref<49152x1024xf32, #tpu.memory_space<hbm>> -> memref<1x1024xf32, #tpu.memory_space<hbm>>
      %dma_start3A_139 = tpu.memref_squeeze %dma_start3A_138 : memref<1x1024xf32, #tpu.memory_space<hbm>> -> memref<1024xf32, #tpu.memory_space<hbm>>
      tpu.enqueue_dma source(%arg22 : memref<1024xf32, #tpu.memory_space<vmem>>) target(%dma_start3A_139 : memref<1024xf32, #tpu.memory_space<hbm>>) target_semaphore(%arg41 : memref<!tpu.dma_semaphore, #tpu.memory_space<semaphore_mem>>)
      %add3A_140 = arith.constant 6144 : i32
      %add3A_141 = arith.addi %add3A_85, %add3A_140 : i32
      %dma_start3A_142 = arith.constant 0 : i32
      %dma_start3A_143 = tpu.memref_slice %arg6[%add3A_141, %dma_start3A_142] : memref<49152x1024xf32, #tpu.memory_space<hbm>> -> memref<1x1024xf32, #tpu.memory_space<hbm>>
      %dma_start3A_144 = tpu.memref_squeeze %dma_start3A_143 : memref<1x1024xf32, #tpu.memory_space<hbm>> -> memref<1024xf32, #tpu.memory_space<hbm>>
      %dma_start3A_145 = arith.constant 0 : i32
      %dma_start3A_146 = tpu.memref_slice %arg6[%add3A_141, %dma_start3A_145] : memref<49152x1024xf32, #tpu.memory_space<hbm>> -> memref<1x1024xf32, #tpu.memory_space<hbm>>
      %dma_start3A_147 = tpu.memref_squeeze %dma_start3A_146 : memref<1x1024xf32, #tpu.memory_space<hbm>> -> memref<1024xf32, #tpu.memory_space<hbm>>
      tpu.enqueue_dma source(%arg23 : memref<1024xf32, #tpu.memory_space<vmem>>) target(%dma_start3A_147 : memref<1024xf32, #tpu.memory_space<hbm>>) target_semaphore(%arg41 : memref<!tpu.dma_semaphore, #tpu.memory_space<semaphore_mem>>)
      %add3A_148 = arith.constant 7168 : i32
      %add3A_149 = arith.addi %add3A_85, %add3A_148 : i32
      %dma_start3A_150 = arith.constant 0 : i32
      %dma_start3A_151 = tpu.memref_slice %arg6[%add3A_149, %dma_start3A_150] : memref<49152x1024xf32, #tpu.memory_space<hbm>> -> memref<1x1024xf32, #tpu.memory_space<hbm>>
      %dma_start3A_152 = tpu.memref_squeeze %dma_start3A_151 : memref<1x1024xf32, #tpu.memory_space<hbm>> -> memref<1024xf32, #tpu.memory_space<hbm>>
      %dma_start3A_153 = arith.constant 0 : i32
      %dma_start3A_154 = tpu.memref_slice %arg6[%add3A_149, %dma_start3A_153] : memref<49152x1024xf32, #tpu.memory_space<hbm>> -> memref<1x1024xf32, #tpu.memory_space<hbm>>
      %dma_start3A_155 = tpu.memref_squeeze %dma_start3A_154 : memref<1x1024xf32, #tpu.memory_space<hbm>> -> memref<1024xf32, #tpu.memory_space<hbm>>
      tpu.enqueue_dma source(%arg24 : memref<1024xf32, #tpu.memory_space<vmem>>) target(%dma_start3A_155 : memref<1024xf32, #tpu.memory_space<hbm>>) target_semaphore(%arg41 : memref<!tpu.dma_semaphore, #tpu.memory_space<semaphore_mem>>)
      %add3A_156 = arith.constant 8192 : i32
      %add3A_157 = arith.addi %add3A_85, %add3A_156 : i32
      %dma_start3A_158 = arith.constant 0 : i32
      %dma_start3A_159 = tpu.memref_slice %arg6[%add3A_157, %dma_start3A_158] : memref<49152x1024xf32, #tpu.memory_space<hbm>> -> memref<1x1024xf32, #tpu.memory_space<hbm>>
      %dma_start3A_160 = tpu.memref_squeeze %dma_start3A_159 : memref<1x1024xf32, #tpu.memory_space<hbm>> -> memref<1024xf32, #tpu.memory_space<hbm>>
      %dma_start3A_161 = arith.constant 0 : i32
      %dma_start3A_162 = tpu.memref_slice %arg6[%add3A_157, %dma_start3A_161] : memref<49152x1024xf32, #tpu.memory_space<hbm>> -> memref<1x1024xf32, #tpu.memory_space<hbm>>
      %dma_start3A_163 = tpu.memref_squeeze %dma_start3A_162 : memref<1x1024xf32, #tpu.memory_space<hbm>> -> memref<1024xf32, #tpu.memory_space<hbm>>
      tpu.enqueue_dma source(%arg25 : memref<1024xf32, #tpu.memory_space<vmem>>) target(%dma_start3A_163 : memref<1024xf32, #tpu.memory_space<hbm>>) target_semaphore(%arg41 : memref<!tpu.dma_semaphore, #tpu.memory_space<semaphore_mem>>)
      %add3A_164 = arith.constant 9216 : i32
      %add3A_165 = arith.addi %add3A_85, %add3A_164 : i32
      %dma_start3A_166 = arith.constant 0 : i32
      %dma_start3A_167 = tpu.memref_slice %arg6[%add3A_165, %dma_start3A_166] : memref<49152x1024xf32, #tpu.memory_space<hbm>> -> memref<1x1024xf32, #tpu.memory_space<hbm>>
      %dma_start3A_168 = tpu.memref_squeeze %dma_start3A_167 : memref<1x1024xf32, #tpu.memory_space<hbm>> -> memref<1024xf32, #tpu.memory_space<hbm>>
      %dma_start3A_169 = arith.constant 0 : i32
      %dma_start3A_170 = tpu.memref_slice %arg6[%add3A_165, %dma_start3A_169] : memref<49152x1024xf32, #tpu.memory_space<hbm>> -> memref<1x1024xf32, #tpu.memory_space<hbm>>
      %dma_start3A_171 = tpu.memref_squeeze %dma_start3A_170 : memref<1x1024xf32, #tpu.memory_space<hbm>> -> memref<1024xf32, #tpu.memory_space<hbm>>
      tpu.enqueue_dma source(%arg26 : memref<1024xf32, #tpu.memory_space<vmem>>) target(%dma_start3A_171 : memref<1024xf32, #tpu.memory_space<hbm>>) target_semaphore(%arg41 : memref<!tpu.dma_semaphore, #tpu.memory_space<semaphore_mem>>)
      %add3A_172 = arith.constant 10240 : i32
      %add3A_173 = arith.addi %add3A_85, %add3A_172 : i32
      %dma_start3A_174 = arith.constant 0 : i32
      %dma_start3A_175 = tpu.memref_slice %arg6[%add3A_173, %dma_start3A_174] : memref<49152x1024xf32, #tpu.memory_space<hbm>> -> memref<1x1024xf32, #tpu.memory_space<hbm>>
      %dma_start3A_176 = tpu.memref_squeeze %dma_start3A_175 : memref<1x1024xf32, #tpu.memory_space<hbm>> -> memref<1024xf32, #tpu.memory_space<hbm>>
      %dma_start3A_177 = arith.constant 0 : i32
      %dma_start3A_178 = tpu.memref_slice %arg6[%add3A_173, %dma_start3A_177] : memref<49152x1024xf32, #tpu.memory_space<hbm>> -> memref<1x1024xf32, #tpu.memory_space<hbm>>
      %dma_start3A_179 = tpu.memref_squeeze %dma_start3A_178 : memref<1x1024xf32, #tpu.memory_space<hbm>> -> memref<1024xf32, #tpu.memory_space<hbm>>
      tpu.enqueue_dma source(%arg27 : memref<1024xf32, #tpu.memory_space<vmem>>) target(%dma_start3A_179 : memref<1024xf32, #tpu.memory_space<hbm>>) target_semaphore(%arg41 : memref<!tpu.dma_semaphore, #tpu.memory_space<semaphore_mem>>)
      %add3A_180 = arith.constant 11264 : i32
      %add3A_181 = arith.addi %add3A_85, %add3A_180 : i32
      %dma_start3A_182 = arith.constant 0 : i32
      %dma_start3A_183 = tpu.memref_slice %arg6[%add3A_181, %dma_start3A_182] : memref<49152x1024xf32, #tpu.memory_space<hbm>> -> memref<1x1024xf32, #tpu.memory_space<hbm>>
      %dma_start3A_184 = tpu.memref_squeeze %dma_start3A_183 : memref<1x1024xf32, #tpu.memory_space<hbm>> -> memref<1024xf32, #tpu.memory_space<hbm>>
      %dma_start3A_185 = arith.constant 0 : i32
      %dma_start3A_186 = tpu.memref_slice %arg6[%add3A_181, %dma_start3A_185] : memref<49152x1024xf32, #tpu.memory_space<hbm>> -> memref<1x1024xf32, #tpu.memory_space<hbm>>
      %dma_start3A_187 = tpu.memref_squeeze %dma_start3A_186 : memref<1x1024xf32, #tpu.memory_space<hbm>> -> memref<1024xf32, #tpu.memory_space<hbm>>
      tpu.enqueue_dma source(%arg28 : memref<1024xf32, #tpu.memory_space<vmem>>) target(%dma_start3A_187 : memref<1024xf32, #tpu.memory_space<hbm>>) target_semaphore(%arg41 : memref<!tpu.dma_semaphore, #tpu.memory_space<semaphore_mem>>)
      %add3A_188 = arith.addi %mul3A_32, %add3A_79 : i32
      %add3A_189 = arith.constant 1 : i32
      %add3A_190 = arith.addi %add3A_188, %add3A_189 : i32
      %add3A_191 = arith.addi %add3A_35, %add3A_79 : i32
      %add3A_192 = arith.constant 1 : i32
      %add3A_193 = arith.addi %add3A_191, %add3A_192 : i32
      %ge3A_194 = arith.constant 2 : i32
      %ge3A_195 = arith.cmpi sge, %add3A_79, %ge3A_194 : i32
      %convert_element_type3A_196 = arith.extui %ge3A_195 : i1 to i32
      %cond3A_197 = arith.constant 0 : i32
      %cond3A_198 = arith.cmpi ne, %convert_element_type3A_196, %cond3A_197 : i32
      scf.if %cond3A_198 {
        %dma_wait3A_303 = arith.constant 0 : i32
        %dma_wait3A_304 = arith.constant 0 : i32
        %dma_wait3A_305 = tpu.memref_slice %arg11[%dma_wait3A_304] : memref<16384xi32, #tpu.memory_space<vmem>> -> memref<12288xi32, #tpu.memory_space<vmem>>
        %dma_wait3A_306 = arith.constant 0 : i32
        %dma_wait3A_307 = tpu.memref_slice %arg5[%dma_wait3A_303, %dma_wait3A_306] : memref<6x16384xi32, #tpu.memory_space<hbm>> -> memref<1x12288xi32, #tpu.memory_space<hbm>>
        %dma_wait3A_308 = tpu.memref_squeeze %dma_wait3A_307 : memref<1x12288xi32, #tpu.memory_space<hbm>> -> memref<12288xi32, #tpu.memory_space<hbm>>
        %dma_wait3A_309 = arith.constant 0 : i32
        %dma_wait3A_310 = tpu.memref_slice %arg11[%dma_wait3A_309] : memref<16384xi32, #tpu.memory_space<vmem>> -> memref<12288xi32, #tpu.memory_space<vmem>>
        %dma_wait3A_311 = arith.constant 0 : i32
        %dma_wait3A_312 = tpu.memref_slice %arg5[%dma_wait3A_303, %dma_wait3A_311] : memref<6x16384xi32, #tpu.memory_space<hbm>> -> memref<1x12288xi32, #tpu.memory_space<hbm>>
        %dma_wait3A_313 = tpu.memref_squeeze %dma_wait3A_312 : memref<1x12288xi32, #tpu.memory_space<hbm>> -> memref<12288xi32, #tpu.memory_space<hbm>>
        tpu.wait_dma2 semaphore(%arg42 : memref<!tpu.dma_semaphore, #tpu.memory_space<semaphore_mem>>) src(%dma_wait3A_313 : memref<12288xi32, #tpu.memory_space<hbm>>) dst(%dma_wait3A_310 : memref<12288xi32, #tpu.memory_space<vmem>>)
      } else {
      }
      %broadcast_in_dim3A_199 = vector.broadcast %add3A_190 : i32 to vector<16xi32>
      %gather3A_200 = tpu.vector_load_idx %arg9[%broadcast_in_dim3A_199] : memref<1024xi32, #tpu.memory_space<vmem>>[vector<16xi32>], vector<16xi32>,
      %add3A_201 = arith.constant 32639 : i32
      %add3A_202 = vector.broadcast %add3A_201 : i32 to vector<16xi32>
      %add3A_203 = arith.addi %gather3A_200, %add3A_202 : vector<16xi32>
      %parallel_loop3A_204 = arith.constant 0 : i32
      %parallel_loop3A_205 = arith.constant 1024 : i32
      %parallel_loop3A_206 = arith.constant 16 : i32
      scf.for %parallel_loop3A_303 = %parallel_loop3A_204 to %parallel_loop3A_205 step %parallel_loop3A_206  : i32 {
        %parallel_loop3A_304 = arith.index_cast %parallel_loop3A_303 : i32 to index
        %parallel_loop3A_305 = tpu.vector_load %arg9[%parallel_loop3A_304] {strides = array<i32>} : memref<1024xi32, #tpu.memory_space<vmem>>, vector<16xi32>,
        %parallel_loop3A_306 = arith.subi %add3A_203, %parallel_loop3A_305 : vector<16xi32>
        %parallel_loop3A_307 = arith.constant 255 : i32
        %parallel_loop3A_308 = vector.broadcast %parallel_loop3A_307 : i32 to vector<16xi32>
        %parallel_loop3A_309 = arith.andi %parallel_loop3A_306, %parallel_loop3A_308 : vector<16xi32>
        %parallel_loop3A_310 = arith.constant 4 : i32
        %parallel_loop3A_311 = vector.broadcast %parallel_loop3A_310 : i32 to vector<16xi32>
        %parallel_loop3A_312 = arith.shli %parallel_loop3A_309, %parallel_loop3A_311 : vector<16xi32>
        %parallel_loop3A_313 = arith.addi %parallel_loop3A_312, %iota3A : vector<16xi32>
        %parallel_loop3A_314 = arith.constant 4 : i32
        %parallel_loop3A_315 = vector.broadcast %parallel_loop3A_314 : i32 to vector<16xi32>
        %parallel_loop3A_316 = arith.shrsi %parallel_loop3A_306, %parallel_loop3A_315 : vector<16xi32>
        %parallel_loop3A_317 = arith.constant 4080 : i32
        %parallel_loop3A_318 = vector.broadcast %parallel_loop3A_317 : i32 to vector<16xi32>
        %parallel_loop3A_319 = arith.andi %parallel_loop3A_316, %parallel_loop3A_318 : vector<16xi32>
        %parallel_loop3A_320 = arith.addi %parallel_loop3A_319, %iota3A : vector<16xi32>
        %parallel_loop3A_321 = tpu.vector_load_idx %arg10[%parallel_loop3A_320] : memref<4096xi32, #tpu.memory_space<vmem>>[vector<16xi32>], vector<16xi32>,
        %parallel_loop3A_322 = tpu.vector_load_idx %arg10[%parallel_loop3A_313] : memref<4096xi32, #tpu.memory_space<vmem>>[vector<16xi32>], vector<16xi32>,
        %parallel_loop3A_323 = arith.constant 5 : i32
        %parallel_loop3A_324 = vector.broadcast %parallel_loop3A_323 : i32 to vector<16xi32>
        %parallel_loop3A_325 = arith.shli %parallel_loop3A_321, %parallel_loop3A_324 : vector<16xi32>
        %parallel_loop3A_326 = arith.addi %parallel_loop3A_325, %parallel_loop3A_322 : vector<16xi32>
        %parallel_loop3A_327 = arith.subi %parallel_loop3A_326, %mul3A_47 : vector<16xi32>
        %parallel_loop3A_328 = tpu.vector_load_idx %arg11[%parallel_loop3A_327] : memref<16384xi32, #tpu.memory_space<vmem>>[vector<16xi32>], vector<16xi32>,
        %parallel_loop3A_329 = vector.broadcast %scan3A_48 : i32 to vector<16xi32>
        %parallel_loop3A_330 = arith.andi %parallel_loop3A_328, %parallel_loop3A_329 : vector<16xi32>
        %parallel_loop3A_331 = vector.bitcast %parallel_loop3A_330 : vector<16xi32> to vector<16xf32>
        %parallel_loop3A_332 = arith.index_cast %parallel_loop3A_303 : i32 to index
        %parallel_loop3A_333 = tpu.vector_load %arg29[%parallel_loop3A_332] {strides = array<i32>} : memref<1024xf32, #tpu.memory_space<vmem>>, vector<16xf32>,
        tpu.vector_store %arg29[%parallel_loop3A_332], %parallel_loop3A_331 {strides = array<i32>} : memref<1024xf32, #tpu.memory_space<vmem>>, vector<16xf32>,
        %parallel_loop3A_334 = arith.constant 16 : i32
        %parallel_loop3A_335 = vector.broadcast %parallel_loop3A_334 : i32 to vector<16xi32>
        %parallel_loop3A_336 = arith.shli %parallel_loop3A_328, %parallel_loop3A_335 : vector<16xi32>
        %parallel_loop3A_337 = vector.bitcast %parallel_loop3A_336 : vector<16xi32> to vector<16xf32>
        %parallel_loop3A_338 = arith.index_cast %parallel_loop3A_303 : i32 to index
        %parallel_loop3A_339 = tpu.vector_load %arg30[%parallel_loop3A_338] {strides = array<i32>} : memref<1024xf32, #tpu.memory_space<vmem>>, vector<16xf32>,
        tpu.vector_store %arg30[%parallel_loop3A_338], %parallel_loop3A_337 {strides = array<i32>} : memref<1024xf32, #tpu.memory_space<vmem>>, vector<16xf32>,
        %parallel_loop3A_340 = tpu.vector_load_idx %arg12[%parallel_loop3A_327] : memref<16384xi32, #tpu.memory_space<vmem>>[vector<16xi32>], vector<16xi32>,
        %parallel_loop3A_341 = vector.broadcast %scan3A_48 : i32 to vector<16xi32>
        %parallel_loop3A_342 = arith.andi %parallel_loop3A_340, %parallel_loop3A_341 : vector<16xi32>
        %parallel_loop3A_343 = vector.bitcast %parallel_loop3A_342 : vector<16xi32> to vector<16xf32>
        %parallel_loop3A_344 = arith.index_cast %parallel_loop3A_303 : i32 to index
        %parallel_loop3A_345 = tpu.vector_load %arg31[%parallel_loop3A_344] {strides = array<i32>} : memref<1024xf32, #tpu.memory_space<vmem>>, vector<16xf32>,
        tpu.vector_store %arg31[%parallel_loop3A_344], %parallel_loop3A_343 {strides = array<i32>} : memref<1024xf32, #tpu.memory_space<vmem>>, vector<16xf32>,
        %parallel_loop3A_346 = arith.constant 16 : i32
        %parallel_loop3A_347 = vector.broadcast %parallel_loop3A_346 : i32 to vector<16xi32>
        %parallel_loop3A_348 = arith.shli %parallel_loop3A_340, %parallel_loop3A_347 : vector<16xi32>
        %parallel_loop3A_349 = vector.bitcast %parallel_loop3A_348 : vector<16xi32> to vector<16xf32>
        %parallel_loop3A_350 = arith.index_cast %parallel_loop3A_303 : i32 to index
        %parallel_loop3A_351 = tpu.vector_load %arg32[%parallel_loop3A_350] {strides = array<i32>} : memref<1024xf32, #tpu.memory_space<vmem>>, vector<16xf32>,
        tpu.vector_store %arg32[%parallel_loop3A_350], %parallel_loop3A_349 {strides = array<i32>} : memref<1024xf32, #tpu.memory_space<vmem>>, vector<16xf32>,
        %parallel_loop3A_352 = tpu.vector_load_idx %arg13[%parallel_loop3A_327] : memref<16384xi32, #tpu.memory_space<vmem>>[vector<16xi32>], vector<16xi32>,
        %parallel_loop3A_353 = vector.broadcast %scan3A_48 : i32 to vector<16xi32>
        %parallel_loop3A_354 = arith.andi %parallel_loop3A_352, %parallel_loop3A_353 : vector<16xi32>
        %parallel_loop3A_355 = vector.bitcast %parallel_loop3A_354 : vector<16xi32> to vector<16xf32>
        %parallel_loop3A_356 = arith.index_cast %parallel_loop3A_303 : i32 to index
        %parallel_loop3A_357 = tpu.vector_load %arg33[%parallel_loop3A_356] {strides = array<i32>} : memref<1024xf32, #tpu.memory_space<vmem>>, vector<16xf32>,
        tpu.vector_store %arg33[%parallel_loop3A_356], %parallel_loop3A_355 {strides = array<i32>} : memref<1024xf32, #tpu.memory_space<vmem>>, vector<16xf32>,
        %parallel_loop3A_358 = arith.constant 16 : i32
        %parallel_loop3A_359 = vector.broadcast %parallel_loop3A_358 : i32 to vector<16xi32>
        %parallel_loop3A_360 = arith.shli %parallel_loop3A_352, %parallel_loop3A_359 : vector<16xi32>
        %parallel_loop3A_361 = vector.bitcast %parallel_loop3A_360 : vector<16xi32> to vector<16xf32>
        %parallel_loop3A_362 = arith.index_cast %parallel_loop3A_303 : i32 to index
        %parallel_loop3A_363 = tpu.vector_load %arg34[%parallel_loop3A_362] {strides = array<i32>} : memref<1024xf32, #tpu.memory_space<vmem>>, vector<16xf32>,
        tpu.vector_store %arg34[%parallel_loop3A_362], %parallel_loop3A_361 {strides = array<i32>} : memref<1024xf32, #tpu.memory_space<vmem>>, vector<16xf32>,
        %parallel_loop3A_364 = tpu.vector_load_idx %arg14[%parallel_loop3A_327] : memref<16384xi32, #tpu.memory_space<vmem>>[vector<16xi32>], vector<16xi32>,
        %parallel_loop3A_365 = vector.broadcast %scan3A_48 : i32 to vector<16xi32>
        %parallel_loop3A_366 = arith.andi %parallel_loop3A_364, %parallel_loop3A_365 : vector<16xi32>
        %parallel_loop3A_367 = vector.bitcast %parallel_loop3A_366 : vector<16xi32> to vector<16xf32>
        %parallel_loop3A_368 = arith.index_cast %parallel_loop3A_303 : i32 to index
        %parallel_loop3A_369 = tpu.vector_load %arg35[%parallel_loop3A_368] {strides = array<i32>} : memref<1024xf32, #tpu.memory_space<vmem>>, vector<16xf32>,
        tpu.vector_store %arg35[%parallel_loop3A_368], %parallel_loop3A_367 {strides = array<i32>} : memref<1024xf32, #tpu.memory_space<vmem>>, vector<16xf32>,
        %parallel_loop3A_370 = arith.constant 16 : i32
        %parallel_loop3A_371 = vector.broadcast %parallel_loop3A_370 : i32 to vector<16xi32>
        %parallel_loop3A_372 = arith.shli %parallel_loop3A_364, %parallel_loop3A_371 : vector<16xi32>
        %parallel_loop3A_373 = vector.bitcast %parallel_loop3A_372 : vector<16xi32> to vector<16xf32>
        %parallel_loop3A_374 = arith.index_cast %parallel_loop3A_303 : i32 to index
        %parallel_loop3A_375 = tpu.vector_load %arg36[%parallel_loop3A_374] {strides = array<i32>} : memref<1024xf32, #tpu.memory_space<vmem>>, vector<16xf32>,
        tpu.vector_store %arg36[%parallel_loop3A_374], %parallel_loop3A_373 {strides = array<i32>} : memref<1024xf32, #tpu.memory_space<vmem>>, vector<16xf32>,
        %parallel_loop3A_376 = tpu.vector_load_idx %arg15[%parallel_loop3A_327] : memref<16384xi32, #tpu.memory_space<vmem>>[vector<16xi32>], vector<16xi32>,
        %parallel_loop3A_377 = vector.broadcast %scan3A_48 : i32 to vector<16xi32>
        %parallel_loop3A_378 = arith.andi %parallel_loop3A_376, %parallel_loop3A_377 : vector<16xi32>
        %parallel_loop3A_379 = vector.bitcast %parallel_loop3A_378 : vector<16xi32> to vector<16xf32>
        %parallel_loop3A_380 = arith.index_cast %parallel_loop3A_303 : i32 to index
        %parallel_loop3A_381 = tpu.vector_load %arg37[%parallel_loop3A_380] {strides = array<i32>} : memref<1024xf32, #tpu.memory_space<vmem>>, vector<16xf32>,
        tpu.vector_store %arg37[%parallel_loop3A_380], %parallel_loop3A_379 {strides = array<i32>} : memref<1024xf32, #tpu.memory_space<vmem>>, vector<16xf32>,
        %parallel_loop3A_382 = arith.constant 16 : i32
        %parallel_loop3A_383 = vector.broadcast %parallel_loop3A_382 : i32 to vector<16xi32>
        %parallel_loop3A_384 = arith.shli %parallel_loop3A_376, %parallel_loop3A_383 : vector<16xi32>
        %parallel_loop3A_385 = vector.bitcast %parallel_loop3A_384 : vector<16xi32> to vector<16xf32>
        %parallel_loop3A_386 = arith.index_cast %parallel_loop3A_303 : i32 to index
        %parallel_loop3A_387 = tpu.vector_load %arg38[%parallel_loop3A_386] {strides = array<i32>} : memref<1024xf32, #tpu.memory_space<vmem>>, vector<16xf32>,
        tpu.vector_store %arg38[%parallel_loop3A_386], %parallel_loop3A_385 {strides = array<i32>} : memref<1024xf32, #tpu.memory_space<vmem>>, vector<16xf32>,
        %parallel_loop3A_388 = tpu.vector_load_idx %arg16[%parallel_loop3A_327] : memref<16384xi32, #tpu.memory_space<vmem>>[vector<16xi32>], vector<16xi32>,
        %parallel_loop3A_389 = vector.broadcast %scan3A_48 : i32 to vector<16xi32>
        %parallel_loop3A_390 = arith.andi %parallel_loop3A_388, %parallel_loop3A_389 : vector<16xi32>
        %parallel_loop3A_391 = vector.bitcast %parallel_loop3A_390 : vector<16xi32> to vector<16xf32>
        %parallel_loop3A_392 = arith.index_cast %parallel_loop3A_303 : i32 to index
        %parallel_loop3A_393 = tpu.vector_load %arg39[%parallel_loop3A_392] {strides = array<i32>} : memref<1024xf32, #tpu.memory_space<vmem>>, vector<16xf32>,
        tpu.vector_store %arg39[%parallel_loop3A_392], %parallel_loop3A_391 {strides = array<i32>} : memref<1024xf32, #tpu.memory_space<vmem>>, vector<16xf32>,
        %parallel_loop3A_394 = arith.constant 16 : i32
        %parallel_loop3A_395 = vector.broadcast %parallel_loop3A_394 : i32 to vector<16xi32>
        %parallel_loop3A_396 = arith.shli %parallel_loop3A_388, %parallel_loop3A_395 : vector<16xi32>
        %parallel_loop3A_397 = vector.bitcast %parallel_loop3A_396 : vector<16xi32> to vector<16xf32>
        %parallel_loop3A_398 = arith.index_cast %parallel_loop3A_303 : i32 to index
        %parallel_loop3A_399 = tpu.vector_load %arg40[%parallel_loop3A_398] {strides = array<i32>} : memref<1024xf32, #tpu.memory_space<vmem>>, vector<16xf32>,
        tpu.vector_store %arg40[%parallel_loop3A_398], %parallel_loop3A_397 {strides = array<i32>} : memref<1024xf32, #tpu.memory_space<vmem>>, vector<16xf32>,
      } {sc.loop_unroll_factor = 4 : i64, sc.parallel_access}
      %add3A_207 = arith.constant 0 : i32
      %add3A_208 = arith.addi %add3A_193, %add3A_207 : i32
      %dma_start3A_209 = arith.constant 0 : i32
      %dma_start3A_210 = tpu.memref_slice %arg6[%add3A_208, %dma_start3A_209] : memref<49152x1024xf32, #tpu.memory_space<hbm>> -> memref<1x1024xf32, #tpu.memory_space<hbm>>
      %dma_start3A_211 = tpu.memref_squeeze %dma_start3A_210 : memref<1x1024xf32, #tpu.memory_space<hbm>> -> memref<1024xf32, #tpu.memory_space<hbm>>
      %dma_start3A_212 = arith.constant 0 : i32
      %dma_start3A_213 = tpu.memref_slice %arg6[%add3A_208, %dma_start3A_212] : memref<49152x1024xf32, #tpu.memory_space<hbm>> -> memref<1x1024xf32, #tpu.memory_space<hbm>>
      %dma_start3A_214 = tpu.memref_squeeze %dma_start3A_213 : memref<1x1024xf32, #tpu.memory_space<hbm>> -> memref<1024xf32, #tpu.memory_space<hbm>>
      tpu.enqueue_dma source(%arg29 : memref<1024xf32, #tpu.memory_space<vmem>>) target(%dma_start3A_214 : memref<1024xf32, #tpu.memory_space<hbm>>) target_semaphore(%arg42 : memref<!tpu.dma_semaphore, #tpu.memory_space<semaphore_mem>>)
      %add3A_215 = arith.constant 1024 : i32
      %add3A_216 = arith.addi %add3A_193, %add3A_215 : i32
      %dma_start3A_217 = arith.constant 0 : i32
      %dma_start3A_218 = tpu.memref_slice %arg6[%add3A_216, %dma_start3A_217] : memref<49152x1024xf32, #tpu.memory_space<hbm>> -> memref<1x1024xf32, #tpu.memory_space<hbm>>
      %dma_start3A_219 = tpu.memref_squeeze %dma_start3A_218 : memref<1x1024xf32, #tpu.memory_space<hbm>> -> memref<1024xf32, #tpu.memory_space<hbm>>
      %dma_start3A_220 = arith.constant 0 : i32
      %dma_start3A_221 = tpu.memref_slice %arg6[%add3A_216, %dma_start3A_220] : memref<49152x1024xf32, #tpu.memory_space<hbm>> -> memref<1x1024xf32, #tpu.memory_space<hbm>>
      %dma_start3A_222 = tpu.memref_squeeze %dma_start3A_221 : memref<1x1024xf32, #tpu.memory_space<hbm>> -> memref<1024xf32, #tpu.memory_space<hbm>>
      tpu.enqueue_dma source(%arg30 : memref<1024xf32, #tpu.memory_space<vmem>>) target(%dma_start3A_222 : memref<1024xf32, #tpu.memory_space<hbm>>) target_semaphore(%arg42 : memref<!tpu.dma_semaphore, #tpu.memory_space<semaphore_mem>>)
      %add3A_223 = arith.constant 2048 : i32
      %add3A_224 = arith.addi %add3A_193, %add3A_223 : i32
      %dma_start3A_225 = arith.constant 0 : i32
      %dma_start3A_226 = tpu.memref_slice %arg6[%add3A_224, %dma_start3A_225] : memref<49152x1024xf32, #tpu.memory_space<hbm>> -> memref<1x1024xf32, #tpu.memory_space<hbm>>
      %dma_start3A_227 = tpu.memref_squeeze %dma_start3A_226 : memref<1x1024xf32, #tpu.memory_space<hbm>> -> memref<1024xf32, #tpu.memory_space<hbm>>
      %dma_start3A_228 = arith.constant 0 : i32
      %dma_start3A_229 = tpu.memref_slice %arg6[%add3A_224, %dma_start3A_228] : memref<49152x1024xf32, #tpu.memory_space<hbm>> -> memref<1x1024xf32, #tpu.memory_space<hbm>>
      %dma_start3A_230 = tpu.memref_squeeze %dma_start3A_229 : memref<1x1024xf32, #tpu.memory_space<hbm>> -> memref<1024xf32, #tpu.memory_space<hbm>>
      tpu.enqueue_dma source(%arg31 : memref<1024xf32, #tpu.memory_space<vmem>>) target(%dma_start3A_230 : memref<1024xf32, #tpu.memory_space<hbm>>) target_semaphore(%arg42 : memref<!tpu.dma_semaphore, #tpu.memory_space<semaphore_mem>>)
      %add3A_231 = arith.constant 3072 : i32
      %add3A_232 = arith.addi %add3A_193, %add3A_231 : i32
      %dma_start3A_233 = arith.constant 0 : i32
      %dma_start3A_234 = tpu.memref_slice %arg6[%add3A_232, %dma_start3A_233] : memref<49152x1024xf32, #tpu.memory_space<hbm>> -> memref<1x1024xf32, #tpu.memory_space<hbm>>
      %dma_start3A_235 = tpu.memref_squeeze %dma_start3A_234 : memref<1x1024xf32, #tpu.memory_space<hbm>> -> memref<1024xf32, #tpu.memory_space<hbm>>
      %dma_start3A_236 = arith.constant 0 : i32
      %dma_start3A_237 = tpu.memref_slice %arg6[%add3A_232, %dma_start3A_236] : memref<49152x1024xf32, #tpu.memory_space<hbm>> -> memref<1x1024xf32, #tpu.memory_space<hbm>>
      %dma_start3A_238 = tpu.memref_squeeze %dma_start3A_237 : memref<1x1024xf32, #tpu.memory_space<hbm>> -> memref<1024xf32, #tpu.memory_space<hbm>>
      tpu.enqueue_dma source(%arg32 : memref<1024xf32, #tpu.memory_space<vmem>>) target(%dma_start3A_238 : memref<1024xf32, #tpu.memory_space<hbm>>) target_semaphore(%arg42 : memref<!tpu.dma_semaphore, #tpu.memory_space<semaphore_mem>>)
      %add3A_239 = arith.constant 4096 : i32
      %add3A_240 = arith.addi %add3A_193, %add3A_239 : i32
      %dma_start3A_241 = arith.constant 0 : i32
      %dma_start3A_242 = tpu.memref_slice %arg6[%add3A_240, %dma_start3A_241] : memref<49152x1024xf32, #tpu.memory_space<hbm>> -> memref<1x1024xf32, #tpu.memory_space<hbm>>
      %dma_start3A_243 = tpu.memref_squeeze %dma_start3A_242 : memref<1x1024xf32, #tpu.memory_space<hbm>> -> memref<1024xf32, #tpu.memory_space<hbm>>
      %dma_start3A_244 = arith.constant 0 : i32
      %dma_start3A_245 = tpu.memref_slice %arg6[%add3A_240, %dma_start3A_244] : memref<49152x1024xf32, #tpu.memory_space<hbm>> -> memref<1x1024xf32, #tpu.memory_space<hbm>>
      %dma_start3A_246 = tpu.memref_squeeze %dma_start3A_245 : memref<1x1024xf32, #tpu.memory_space<hbm>> -> memref<1024xf32, #tpu.memory_space<hbm>>
      tpu.enqueue_dma source(%arg33 : memref<1024xf32, #tpu.memory_space<vmem>>) target(%dma_start3A_246 : memref<1024xf32, #tpu.memory_space<hbm>>) target_semaphore(%arg42 : memref<!tpu.dma_semaphore, #tpu.memory_space<semaphore_mem>>)
      %add3A_247 = arith.constant 5120 : i32
      %add3A_248 = arith.addi %add3A_193, %add3A_247 : i32
      %dma_start3A_249 = arith.constant 0 : i32
      %dma_start3A_250 = tpu.memref_slice %arg6[%add3A_248, %dma_start3A_249] : memref<49152x1024xf32, #tpu.memory_space<hbm>> -> memref<1x1024xf32, #tpu.memory_space<hbm>>
      %dma_start3A_251 = tpu.memref_squeeze %dma_start3A_250 : memref<1x1024xf32, #tpu.memory_space<hbm>> -> memref<1024xf32, #tpu.memory_space<hbm>>
      %dma_start3A_252 = arith.constant 0 : i32
      %dma_start3A_253 = tpu.memref_slice %arg6[%add3A_248, %dma_start3A_252] : memref<49152x1024xf32, #tpu.memory_space<hbm>> -> memref<1x1024xf32, #tpu.memory_space<hbm>>
      %dma_start3A_254 = tpu.memref_squeeze %dma_start3A_253 : memref<1x1024xf32, #tpu.memory_space<hbm>> -> memref<1024xf32, #tpu.memory_space<hbm>>
      tpu.enqueue_dma source(%arg34 : memref<1024xf32, #tpu.memory_space<vmem>>) target(%dma_start3A_254 : memref<1024xf32, #tpu.memory_space<hbm>>) target_semaphore(%arg42 : memref<!tpu.dma_semaphore, #tpu.memory_space<semaphore_mem>>)
      %add3A_255 = arith.constant 6144 : i32
      %add3A_256 = arith.addi %add3A_193, %add3A_255 : i32
      %dma_start3A_257 = arith.constant 0 : i32
      %dma_start3A_258 = tpu.memref_slice %arg6[%add3A_256, %dma_start3A_257] : memref<49152x1024xf32, #tpu.memory_space<hbm>> -> memref<1x1024xf32, #tpu.memory_space<hbm>>
      %dma_start3A_259 = tpu.memref_squeeze %dma_start3A_258 : memref<1x1024xf32, #tpu.memory_space<hbm>> -> memref<1024xf32, #tpu.memory_space<hbm>>
      %dma_start3A_260 = arith.constant 0 : i32
      %dma_start3A_261 = tpu.memref_slice %arg6[%add3A_256, %dma_start3A_260] : memref<49152x1024xf32, #tpu.memory_space<hbm>> -> memref<1x1024xf32, #tpu.memory_space<hbm>>
      %dma_start3A_262 = tpu.memref_squeeze %dma_start3A_261 : memref<1x1024xf32, #tpu.memory_space<hbm>> -> memref<1024xf32, #tpu.memory_space<hbm>>
      tpu.enqueue_dma source(%arg35 : memref<1024xf32, #tpu.memory_space<vmem>>) target(%dma_start3A_262 : memref<1024xf32, #tpu.memory_space<hbm>>) target_semaphore(%arg42 : memref<!tpu.dma_semaphore, #tpu.memory_space<semaphore_mem>>)
      %add3A_263 = arith.constant 7168 : i32
      %add3A_264 = arith.addi %add3A_193, %add3A_263 : i32
      %dma_start3A_265 = arith.constant 0 : i32
      %dma_start3A_266 = tpu.memref_slice %arg6[%add3A_264, %dma_start3A_265] : memref<49152x1024xf32, #tpu.memory_space<hbm>> -> memref<1x1024xf32, #tpu.memory_space<hbm>>
      %dma_start3A_267 = tpu.memref_squeeze %dma_start3A_266 : memref<1x1024xf32, #tpu.memory_space<hbm>> -> memref<1024xf32, #tpu.memory_space<hbm>>
      %dma_start3A_268 = arith.constant 0 : i32
      %dma_start3A_269 = tpu.memref_slice %arg6[%add3A_264, %dma_start3A_268] : memref<49152x1024xf32, #tpu.memory_space<hbm>> -> memref<1x1024xf32, #tpu.memory_space<hbm>>
      %dma_start3A_270 = tpu.memref_squeeze %dma_start3A_269 : memref<1x1024xf32, #tpu.memory_space<hbm>> -> memref<1024xf32, #tpu.memory_space<hbm>>
      tpu.enqueue_dma source(%arg36 : memref<1024xf32, #tpu.memory_space<vmem>>) target(%dma_start3A_270 : memref<1024xf32, #tpu.memory_space<hbm>>) target_semaphore(%arg42 : memref<!tpu.dma_semaphore, #tpu.memory_space<semaphore_mem>>)
      %add3A_271 = arith.constant 8192 : i32
      %add3A_272 = arith.addi %add3A_193, %add3A_271 : i32
      %dma_start3A_273 = arith.constant 0 : i32
      %dma_start3A_274 = tpu.memref_slice %arg6[%add3A_272, %dma_start3A_273] : memref<49152x1024xf32, #tpu.memory_space<hbm>> -> memref<1x1024xf32, #tpu.memory_space<hbm>>
      %dma_start3A_275 = tpu.memref_squeeze %dma_start3A_274 : memref<1x1024xf32, #tpu.memory_space<hbm>> -> memref<1024xf32, #tpu.memory_space<hbm>>
      %dma_start3A_276 = arith.constant 0 : i32
      %dma_start3A_277 = tpu.memref_slice %arg6[%add3A_272, %dma_start3A_276] : memref<49152x1024xf32, #tpu.memory_space<hbm>> -> memref<1x1024xf32, #tpu.memory_space<hbm>>
      %dma_start3A_278 = tpu.memref_squeeze %dma_start3A_277 : memref<1x1024xf32, #tpu.memory_space<hbm>> -> memref<1024xf32, #tpu.memory_space<hbm>>
      tpu.enqueue_dma source(%arg37 : memref<1024xf32, #tpu.memory_space<vmem>>) target(%dma_start3A_278 : memref<1024xf32, #tpu.memory_space<hbm>>) target_semaphore(%arg42 : memref<!tpu.dma_semaphore, #tpu.memory_space<semaphore_mem>>)
      %add3A_279 = arith.constant 9216 : i32
      %add3A_280 = arith.addi %add3A_193, %add3A_279 : i32
      %dma_start3A_281 = arith.constant 0 : i32
      %dma_start3A_282 = tpu.memref_slice %arg6[%add3A_280, %dma_start3A_281] : memref<49152x1024xf32, #tpu.memory_space<hbm>> -> memref<1x1024xf32, #tpu.memory_space<hbm>>
      %dma_start3A_283 = tpu.memref_squeeze %dma_start3A_282 : memref<1x1024xf32, #tpu.memory_space<hbm>> -> memref<1024xf32, #tpu.memory_space<hbm>>
      %dma_start3A_284 = arith.constant 0 : i32
      %dma_start3A_285 = tpu.memref_slice %arg6[%add3A_280, %dma_start3A_284] : memref<49152x1024xf32, #tpu.memory_space<hbm>> -> memref<1x1024xf32, #tpu.memory_space<hbm>>
      %dma_start3A_286 = tpu.memref_squeeze %dma_start3A_285 : memref<1x1024xf32, #tpu.memory_space<hbm>> -> memref<1024xf32, #tpu.memory_space<hbm>>
      tpu.enqueue_dma source(%arg38 : memref<1024xf32, #tpu.memory_space<vmem>>) target(%dma_start3A_286 : memref<1024xf32, #tpu.memory_space<hbm>>) target_semaphore(%arg42 : memref<!tpu.dma_semaphore, #tpu.memory_space<semaphore_mem>>)
      %add3A_287 = arith.constant 10240 : i32
      %add3A_288 = arith.addi %add3A_193, %add3A_287 : i32
      %dma_start3A_289 = arith.constant 0 : i32
      %dma_start3A_290 = tpu.memref_slice %arg6[%add3A_288, %dma_start3A_289] : memref<49152x1024xf32, #tpu.memory_space<hbm>> -> memref<1x1024xf32, #tpu.memory_space<hbm>>
      %dma_start3A_291 = tpu.memref_squeeze %dma_start3A_290 : memref<1x1024xf32, #tpu.memory_space<hbm>> -> memref<1024xf32, #tpu.memory_space<hbm>>
      %dma_start3A_292 = arith.constant 0 : i32
      %dma_start3A_293 = tpu.memref_slice %arg6[%add3A_288, %dma_start3A_292] : memref<49152x1024xf32, #tpu.memory_space<hbm>> -> memref<1x1024xf32, #tpu.memory_space<hbm>>
      %dma_start3A_294 = tpu.memref_squeeze %dma_start3A_293 : memref<1x1024xf32, #tpu.memory_space<hbm>> -> memref<1024xf32, #tpu.memory_space<hbm>>
      tpu.enqueue_dma source(%arg39 : memref<1024xf32, #tpu.memory_space<vmem>>) target(%dma_start3A_294 : memref<1024xf32, #tpu.memory_space<hbm>>) target_semaphore(%arg42 : memref<!tpu.dma_semaphore, #tpu.memory_space<semaphore_mem>>)
      %add3A_295 = arith.constant 11264 : i32
      %add3A_296 = arith.addi %add3A_193, %add3A_295 : i32
      %dma_start3A_297 = arith.constant 0 : i32
      %dma_start3A_298 = tpu.memref_slice %arg6[%add3A_296, %dma_start3A_297] : memref<49152x1024xf32, #tpu.memory_space<hbm>> -> memref<1x1024xf32, #tpu.memory_space<hbm>>
      %dma_start3A_299 = tpu.memref_squeeze %dma_start3A_298 : memref<1x1024xf32, #tpu.memory_space<hbm>> -> memref<1024xf32, #tpu.memory_space<hbm>>
      %dma_start3A_300 = arith.constant 0 : i32
      %dma_start3A_301 = tpu.memref_slice %arg6[%add3A_296, %dma_start3A_300] : memref<49152x1024xf32, #tpu.memory_space<hbm>> -> memref<1x1024xf32, #tpu.memory_space<hbm>>
      %dma_start3A_302 = tpu.memref_squeeze %dma_start3A_301 : memref<1x1024xf32, #tpu.memory_space<hbm>> -> memref<1024xf32, #tpu.memory_space<hbm>>
      tpu.enqueue_dma source(%arg40 : memref<1024xf32, #tpu.memory_space<vmem>>) target(%dma_start3A_302 : memref<1024xf32, #tpu.memory_space<hbm>>) target_semaphore(%arg42 : memref<!tpu.dma_semaphore, #tpu.memory_space<semaphore_mem>>)
    }
    %scan3A_53 = arith.constant 64 : i32
    %dma_wait3A = arith.constant 0 : i32
    %dma_wait3A_54 = arith.constant 0 : i32
    %dma_wait3A_55 = tpu.memref_slice %arg11[%dma_wait3A_54] : memref<16384xi32, #tpu.memory_space<vmem>> -> memref<12288xi32, #tpu.memory_space<vmem>>
    %dma_wait3A_56 = arith.constant 0 : i32
    %dma_wait3A_57 = tpu.memref_slice %arg5[%dma_wait3A, %dma_wait3A_56] : memref<6x16384xi32, #tpu.memory_space<hbm>> -> memref<1x12288xi32, #tpu.memory_space<hbm>>
    %dma_wait3A_58 = tpu.memref_squeeze %dma_wait3A_57 : memref<1x12288xi32, #tpu.memory_space<hbm>> -> memref<12288xi32, #tpu.memory_space<hbm>>
    %dma_wait3A_59 = arith.constant 0 : i32
    %dma_wait3A_60 = tpu.memref_slice %arg11[%dma_wait3A_59] : memref<16384xi32, #tpu.memory_space<vmem>> -> memref<12288xi32, #tpu.memory_space<vmem>>
    %dma_wait3A_61 = arith.constant 0 : i32
    %dma_wait3A_62 = tpu.memref_slice %arg5[%dma_wait3A, %dma_wait3A_61] : memref<6x16384xi32, #tpu.memory_space<hbm>> -> memref<1x12288xi32, #tpu.memory_space<hbm>>
    %dma_wait3A_63 = tpu.memref_squeeze %dma_wait3A_62 : memref<1x12288xi32, #tpu.memory_space<hbm>> -> memref<12288xi32, #tpu.memory_space<hbm>>
    tpu.wait_dma2 semaphore(%arg41 : memref<!tpu.dma_semaphore, #tpu.memory_space<semaphore_mem>>) src(%dma_wait3A_63 : memref<12288xi32, #tpu.memory_space<hbm>>) dst(%dma_wait3A_60 : memref<12288xi32, #tpu.memory_space<vmem>>)
    %dma_wait3A_64 = arith.constant 0 : i32
    %dma_wait3A_65 = arith.constant 0 : i32
    %dma_wait3A_66 = tpu.memref_slice %arg11[%dma_wait3A_65] : memref<16384xi32, #tpu.memory_space<vmem>> -> memref<12288xi32, #tpu.memory_space<vmem>>
    %dma_wait3A_67 = arith.constant 0 : i32
    %dma_wait3A_68 = tpu.memref_slice %arg5[%dma_wait3A_64, %dma_wait3A_67] : memref<6x16384xi32, #tpu.memory_space<hbm>> -> memref<1x12288xi32, #tpu.memory_space<hbm>>
    %dma_wait3A_69 = tpu.memref_squeeze %dma_wait3A_68 : memref<1x12288xi32, #tpu.memory_space<hbm>> -> memref<12288xi32, #tpu.memory_space<hbm>>
    %dma_wait3A_70 = arith.constant 0 : i32
    %dma_wait3A_71 = tpu.memref_slice %arg11[%dma_wait3A_70] : memref<16384xi32, #tpu.memory_space<vmem>> -> memref<12288xi32, #tpu.memory_space<vmem>>
    %dma_wait3A_72 = arith.constant 0 : i32
    %dma_wait3A_73 = tpu.memref_slice %arg5[%dma_wait3A_64, %dma_wait3A_72] : memref<6x16384xi32, #tpu.memory_space<hbm>> -> memref<1x12288xi32, #tpu.memory_space<hbm>>
    %dma_wait3A_74 = tpu.memref_squeeze %dma_wait3A_73 : memref<1x12288xi32, #tpu.memory_space<hbm>> -> memref<12288xi32, #tpu.memory_space<hbm>>
    tpu.wait_dma2 semaphore(%arg42 : memref<!tpu.dma_semaphore, #tpu.memory_space<semaphore_mem>>) src(%dma_wait3A_74 : memref<12288xi32, #tpu.memory_space<hbm>>) dst(%dma_wait3A_71 : memref<12288xi32, #tpu.memory_space<vmem>>)
    return
  }
}

</mosaic_0001>

<sc_bundles>
// kernel: kernel.3.cloned.1.call-start
scs
__scs_entry_jumppad:
0x0: {  	(pc) =	sbr.rel $0x88, $3  }
0x1: {  	(tag) =	ssettag $0x0;
	lr =	simm.s32 $0x1  }
0x2: {  	[smem:$0x3F9F] =	sst lr;
	_ =	strace $0xD0000000  }
0x3: {  	_ = 	snop  }
0x4: {  	_ = 	snop  }
0x5: {  	_ = 	snop  }
0x6: {  	_ = 	snop  }
0x7: {  	_ = 	snop  }
__scs_overlays_trampoline_lowered:
0x8: {  	[smem:$0x3FAE] =	sst s0  }
0x9: {  	[smem:$0x3FAF] =	sst s1  }
0xa: {  	[smem:$0x3FB0] =	sst s2  }
0xb: {  	[smem:$0x3FB1] =	sst s3  }
0xc: {  	[smem:$0x3FB2] =	sst s4  }
0xd: {  	[smem:$0x3FB3] =	sst s5  }
0xe: {  	[smem:$0x3FB4] =	sst s6  }
0xf: {  	[smem:$0x3FB5] =	sst s7  }
0x10: {  	[smem:$0x3FB6] =	sst s8  }
0x11: {  	[smem:$0x3FB7] =	sst s9;
	s0 =	simm.s32 @!p0 $0x0  }
0x12: {  	s1 =	sld [smem:$0x3F9D];
	s0 =	simm.s32 @p0 $0x1  }
0x13: {  	[smem:$0x3FB8] =	sst s0;
	s0 =	simm.s32 @!p1 $0x0  }
0x14: {  	s2 =	sld [smem:$0x3F9C];
	s0 =	simm.s32 @p1 $0x1  }
0x15: {  	[smem:$0x3FB9] =	sst s0;
	s0 =	simm.s32 @!p2 $0x0  }
0x16: {  	s3 =	sld [smem:$0x3FDB];
	s0 =	simm.s32 @p2 $0x1  }
0x17: {  	s4 =	simm.s32 $0x1BF5;
	[smem:$0x3FBB] =	sst s0  }
0x18: {  	s0 =	sld [smem:$0x3F9E];
	_ =	swait.ge [sflag:s4], $0x0  }
0x19: {  	s7 =	sld [smem:$0x3F9F]  }
0x1a: {  	s8 =	sadd.s32 $0xFFFFE003, lr  }
0x1b: {  	s9 =	sadd.s32 $0xFFFFFEF7, lr;
	s5 =	simm.s32 $0xFFFFFFFF;
	p2 =	slt.u32 s8, $0xFFFFF086  }
0x1c: {  	p1 =	slt.u32 s9, $0xF7A;
	s5 =	simm.s32 @!p2 $0x0  }
0x1d: {  	s5 =	simm.s32 @p1 $0x1;
	p0 =	seq.s32 s7, s2  }
0x1e: {  	s7 =	smul.u32 @!p0 $0xF7A, s2;
	p2 =	seq.s32 @!p0 s5, $0x0  }
0x1f: {  	s9 =	smul.u32 $0xF7A, s1;
	s8 =	simm.s32 @!p0 $0x1BF5;
	p2 =	por !p2, p0  }
0x20: {  	[sflag:s8] =	ssyncset.s32 @!p0 $0xFFFFF086;
	s6 =	sadd.s32 @!p0 s3, s7;
	s7 =	simm.s32 @!p0 $0x108  }
0x21: {  	s3 =	sadd.s32 s3, s9;
	s6 =	sadd.s32 @!p0 $0x88, s6;
	s7 =	simm.s32 @p2 $0x1082  }
0x22: {  	[simem:s7], [sflag:s8] =	dma.local @!p0 [hbm:s6], $0xF7A  }
0x23: {  	s9 =	sor.u32 $0xD0000000, s2;
	s6 =	simm.s32 $0x108;
	_ =	swait.ge @!p0 [sflag:s8], $0x0  }
0x24: {  	s3 =	sadd.s32 $0x88, s3;
	s6 =	simm.s32 @!p1 $0x1082;
	[sflag:s4] =	ssyncset.s32 $0xFFFFF086  }
0x25: {  	[simem:s6], [sflag:s4] =	dma.local [hbm:s3], $0xF7A  }
0x26: {  	[smem:$0x3F9F] =	sst s1;
	(tag) =	ssettag s2;
	_ =	strace s9  }
0x27: {  	s1 =	sld [smem:$0x3FAF]  }
0x28: {  	s2 =	sld [smem:$0x3FB0]  }
0x29: {  	s4 =	sld [smem:$0x3FB2]  }
0x2a: {  	p0 =	seq.s32 s5, $0x0;
	s5 =	sld [smem:$0x3FB3]  }
0x2b: {  	s6 =	sld [smem:$0x3FB4]  }
0x2c: {  	s7 =	sld [smem:$0x3FB5]  }
0x2d: {  	s3 =	simm.s32 $0x108;
	s8 =	sld [smem:$0x3FB6]  }
0x2e: {  	s3 =	simm.s32 @!p0 $0x1082;
	s9 =	sld [smem:$0x3FB7]  }
0x2f: {  	lr =	sadd.s32 s0, s3;
	s0 =	sld [smem:$0x3FAE]  }
0x30: {  	s3 =	sld [smem:$0x3FB1]  }
0x31: {  	[smem:$0x3FBA] =	sst s10  }
0x32: {  	s10 =	sld [smem:$0x3FB8];
	_ =	sdelay $0x3  }
0x33: {  	p0 =	seq.s32 s10, $0x1;
	s10 =	sld [smem:$0x3FBA];
	_ =	sdelay $0x3  }
0x34: {  	[smem:$0x3FBA] =	sst s10  }
0x35: {  	s10 =	sld [smem:$0x3FB9];
	_ =	sdelay $0x3  }
0x36: {  	p1 =	seq.s32 s10, $0x1;
	s10 =	sld [smem:$0x3FBA];
	_ =	sdelay $0x3  }
0x37: {  	[smem:$0x3FBA] =	sst s10  }
0x38: {  	s10 =	sld [smem:$0x3FBB]  }
0x39: {  	_ = 	snop;
	(pc) =	sbr.ind lr, $3  }
0x3a: {  	_ = 	snop  }
0x3b: {  	_ = 	snop  }
0x3c: {  	p2 =	seq.s32 s10, $0x1;
	s10 =	sld [smem:$0x3FBA]  }
0x3d: {  	_ =	shalt  }
0x3e: {  	_ =	shalt  }
0x3f: {  	_ =	shalt  }
0x40: {  	_ =	shalt  }
0x41: {  	_ =	shalt  }
0x42: {  	_ =	shalt  }
0x43: {  	_ =	shalt  }
0x44: {  	_ =	shalt  }
0x45: {  	_ =	shalt  }
0x46: {  	_ =	shalt  }
0x47: {  	_ =	shalt  }
0x48: {  	_ =	shalt  }
0x49: {  	_ =	shalt  }
0x4a: {  	_ =	shalt  }
0x4b: {  	_ =	shalt  }
0x4c: {  	_ =	shalt  }
0x4d: {  	_ =	shalt  }
0x4e: {  	_ =	shalt  }
0x4f: {  	_ =	shalt  }
0x50: {  	_ =	shalt  }
0x51: {  	_ =	shalt  }
0x52: {  	_ =	shalt  }
0x53: {  	_ =	shalt  }
0x54: {  	_ =	shalt  }
0x55: {  	_ =	shalt  }
0x56: {  	_ =	shalt  }
0x57: {  	_ =	shalt  }
0x58: {  	_ =	shalt  }
0x59: {  	_ =	shalt  }
0x5a: {  	_ =	shalt  }
0x5b: {  	_ =	shalt  }
0x5c: {  	_ =	shalt  }
0x5d: {  	_ =	shalt  }
0x5e: {  	_ =	shalt  }
0x5f: {  	_ =	shalt  }
0x60: {  	_ =	shalt  }
0x61: {  	_ =	shalt  }
0x62: {  	_ =	shalt  }
0x63: {  	_ =	shalt  }
0x64: {  	_ =	shalt  }
0x65: {  	_ =	shalt  }
0x66: {  	_ =	shalt  }
0x67: {  	_ =	shalt  }
0x68: {  	_ =	shalt  }
0x69: {  	_ =	shalt  }
0x6a: {  	_ =	shalt  }
0x6b: {  	_ =	shalt  }
0x6c: {  	_ =	shalt  }
0x6d: {  	_ =	shalt  }
0x6e: {  	_ =	shalt  }
0x6f: {  	_ =	shalt  }
0x70: {  	_ =	shalt  }
0x71: {  	_ =	shalt  }
0x72: {  	_ =	shalt  }
0x73: {  	_ =	shalt  }
0x74: {  	_ =	shalt  }
0x75: {  	_ =	shalt  }
0x76: {  	_ =	shalt  }
0x77: {  	_ =	shalt  }
0x78: {  	_ =	shalt  }
0x79: {  	_ =	shalt  }
0x7a: {  	_ =	shalt  }
0x7b: {  	_ =	shalt  }
0x7c: {  	_ =	shalt  }
0x7d: {  	_ =	shalt  }
0x7e: {  	_ =	shalt  }
0x7f: {  	_ =	shalt  }
0x80: {  	_ =	shalt  }
0x81: {  	_ =	shalt  }
0x82: {  	_ =	shalt  }
0x83: {  	_ =	shalt  }
0x84: {  	_ =	shalt  }
0x85: {  	_ =	shalt  }
0x86: {  	_ =	shalt  }
0x87: {  	_ =	shalt  }
.Lfunc_end0:
.L_simem_size_0:
called_computation_lowered:
.L_overlay_start_0:
0x88: {  	s2 =	sld [smem:$0x3FD9]  }
0x89: {  	s3 =	sld [smem:$0x3FFE];
	_ =	sdelay $0x1  }
0x8a: {  	s1 =	srdreg.scid  }
0x8b: {  	s0 =	sand.u32 $0x1, s1  }
0x8c: {  	s17 =	sshll.u32 s0, $0xA;
	s2 =	sadd.s32 s3, s2  }
0x8d: {  	s2 =	sadd.s32 s2, s17  }
0x8e: {  	[smem:$0x3FC6] =	sst s2  }
0x8f: {  	_ = 	snop  }
0x90: {  	s2 =	sld [smem:$0x3FD0];
	(tm) =	ssettm $0x1  }
0x91: {  	s18 =	sld [smem:$0x3FFB];
	_ =	sdelay $0x3  }
0x92: {  	_ =	strace s18  }
0x93: {  	s3 =	sld [smem:$0x3FFC];
	_ =	sdelay $0x3  }
0x94: {  	_ =	strace s3  }
0x95: {  	s3 =	sld [smem:$0x3FFD];
	_ =	sdelay $0x3  }
0x96: {  	_ =	strace s3  }
0x97: {  	_ =	strace $0x8FFFFFFF  }
0x98: {  	s19 =	sld [smem:$0x3FDB];
	_ =	sdelay $0x1  }
0x99: {  	s4 =	simm.s32 $_scs_section_size  }
0x9a: {  	s5 =	simm.s32 $_size__tile_overlayer_lowered;
	s6 =	simm.s32 $_tile_overlayer_lowered  }
0x9b: {  	s22 =	simm.s32 $0x1BFF;
	s21 =	sshll.u32 s6, $0x1;
	s3 =	sadd.s32 s4, s19  }
0x9c: {  	s7 =	simm.s32 $0x0;
	s20 =	sshll.u32 s5, $0x1;
	s5 =	sadd.s32 s21, s3  }
0x9d: {  	[timem:s7], [sflag:s22] =	dma.local [hbm:s5], s20  }
0x9e: {  	_ =	swait.ge [sflag:s22], s20  }
0x9f: {  	s4 =	ssub.s32 $0x0, s20;
	[sflag:s22] =	ssyncset.done $0x0  }
0xa0: {  	[sflag:s22] =	ssyncadd.s32 s4;
	_ =	sdelay $0x1  }
0xa1: {  	s23 =	simm.s32 $0x1B8B  }
0xa2: {  	_ =	swait.ge [sflag:s23], $0x1  }
0xa3: {  	[sflag:s23] =	ssyncset.done $0x0  }
0xa4: {  	s25 =	simm.s32 $0x1B8E;
	s24 =	sld [smem:$0x3FFE];
	[sflag:s23] =	ssyncadd.s32 $0xFFFFFFFF  }
0xa5: {  	s26 =	simm.s32 $execute0_lowered;
	[smem:$0x3FD2] =	sst s25  }
0xa6: {  	s5 =	sshll.u32 s26, $0x1;
	_ =	strace $0x80000046;
	[dreg:$0x1] =	wrdreg $0xFFFFFFFF  }
0xa7: {  	s28 =	simm.s32 $_size_execute0_lowered;
	s3 =	sadd.s32 s3, s5;
	[dreg:$0x0] =	wrdreg $0x0  }
0xa8: {  	s5 =	sshll.u32 s28, $0x1;
	[dreg:$0x2] =	wrdreg s3  }
0xa9: {  	[dreg:$0x3] =	wrdreg s5  }
0xaa: {  	[dreg:$0x4] =	wrdreg $0xC0  }
0xab: {  	_ =	task [dreg:s7], $0x5FFFF  }
0xac: {  	[dreg:$0x1] =	wrdreg $0xFFFFFFFF  }
0xad: {  	[dreg:$0x0] =	wrdreg $0x60  }
0xae: {  	[dreg:$0x2] =	wrdreg s24  }
0xaf: {  	[dreg:$0x3] =	wrdreg s2  }
0xb0: {  	[dreg:$0x4] =	wrdreg $0x9  }
0xb1: {  	_ =	task.clear_ibuf [dreg:s7], $0x5FFFF;
	_ =	strace $0x90000046  }
0xb2: {  	s29 =	simm.s32 $0x9;
	_ =	strace $0x80000048  }
0xb3: {  	_ =	swait.ge [sflag:s29], $0x1  }
0xb4: {  	[sflag:s29] =	ssyncadd.s32 $0xFFFFFFFF  }
0xb5: {  	_ =	strace $0x90000048  }
0xb6: {  	_ =	sfence  }
0xb7: {  	s30 =	sld [smem:$0x0];
	_ =	sdelay $0x2  }
0xb8: {  	s31 =	sshll.u32 s1, $0xD;
	s1 =	sshrl.u32 s1, $0x2  }
0xb9: {  	s3 =	sand.u32 $0x4000, s31;
	s1 =	sadd.s32 s1, s30  }
0xba: {  	s0 =	sor.u32 s3, s0;
	s1 =	sshll.u32 s1, $0x11  }
0xbb: {  	s0 =	sor.u32 s1, s0  }
0xbc: {  	s0 =	sadd.s32 $0x8F2B, s0  }
0xbd: {  	[sflag:s0] =	ssyncadd.remote.s32 $0x1  }
0xbe: {  	_ =	sfence.sel $0xFFFF  }
0xbf: {  	[dreg:$0x0] =	wrdreg $0xFFFFFFFF;
	(pc) =	sbr.abs _section_cstart, $3  }
0xc0: {  	[dreg:$0x1] =	wrdreg $0xFFFFFFFF  }
0xc1: {  	_ =	task.clear_ibuf [dreg:s7], $0x2FFFF;
	_ =	strace $0x9FFFFFFF  }
0xc2: {  	(tm) =	ssettm $0x7FFFFFFF  }
0xc3: {  	_ =	shalt  }
tec
execute0_lowered:
.L_overlay_start_1:
0x0: {  	(tag) =	ssettag $0x1  }
0x1: {  	s0 =	rddreg [dreg:$0x0]  }
0x2: {  	s2 =	rddreg [dreg:$0x1]  }
0x3: {  	s1 =	simm.s32 $0x0;
	s5 =	stileid.u32;
	s4 =	srdreg.scid  }
0x4: {  	s28 =	simm.s32 $0x80;
	s31 =	simm.s32 $0x400;
	s29 =	simm.s32 $0x11C00  }
0x5: {  	s8 =	simm.s32 $0x15C00;
	s9 =	simm.s32 $0x800;
	[smem:$0x7FF] =	sst s1  }
0x6: {  	s10 =	sshrl.u32 s5, $0x2;
	s5 =	sshll.u32 s5, $0x1;
	s6 =	sadd.s32 $0x800, s0  }
0x7: {  	s4 =	sand.u32 $0x1, s4;
	s12 =	sadd.s32 $0xA00, s0;
	s22 =	sadd.s32 $0xA10, s0  }
0x8: {  	s23 =	sadd.s32 $0xA20, s0;
	_ =	strace $0x80000047;
	[dreg:$0x3] =	wrdreg s6  }
0x9: {  	s24 =	sadd.s32 $0xA30, s0;
	s25 =	sadd.s32 $0xA40, s0;
	[dreg:$0x4] =	wrdreg s12  }
0xa: {  	s26 =	sadd.s32 $0x20000, s2;
	s16 =	sadd.s32 $0x40000, s2;
	[dreg:$0x8] =	wrdreg s22  }
0xb: {  	s17 =	sadd.s32 $0x60000, s2;
	s18 =	sadd.s32 $0x80000, s2;
	[dreg:$0x9] =	wrdreg s23  }
0xc: {  	s19 =	sadd.s32 $0xA0000, s2;
	s3 =	sshll.u32 s10, $0x4;
	[dreg:$0xa] =	wrdreg s24  }
0xd: {  	s5 =	sand.u32 $0x6, s5;
	s11 =	ssub.s32 $0x2, s4;
	[dreg:$0xb] =	wrdreg s25  }
0xe: {  	s1 =	smul.u32 $0x3000, s10;
	[dreg:$0xd] =	wrdreg s26;
	s22 =	sadd.s32 $0x100000, s2  }
0xf: {  	s23 =	sadd.s32 $0x120000, s2;
	s24 =	sadd.s32 $0x140000, s2;
	s26 =	sadd.s32 $0x160000, s2  }
0x10: {  	s10 =	simm.s32 $0x0;
	s3 =	sadd.s32 s3, s0;
	s4 =	sor.u32 s4, s5  }
0x11: {  	s13 =	sshrl.u32 s11, $0x1;
	s0 =	sadd.s32 $0xA50, s0;
	s5 =	simm.s32 $0xDC00  }
0x12: {  	s7 =	sshll.u32 s4, $0x7;
	s14 =	ssub.s32 s11, s13;
	s20 =	sadd.s32 $0x4C00, s3  }
0x13: {  	s21 =	sadd.s32 $0x4A00, s3;
	[dreg:$0xc] =	wrdreg s0;
	s0 =	simm.s32 $0xC00  }
0x14: {  	s3 =	simm.s32 $0x5C00;
	s4 =	simm.s32 $0x9C00;
	[dreg:$0x6] =	wrdreg s20  }
0x15: {  	s15 =	smov.u32 s7;
	s1 =	sor.u32 s1, s7;
	[dreg:$0x7] =	wrdreg s21  }
0x16: {  	v0 =	vlaneseq.u32;
	s20 =	sadd.s32 $0xC0000, s2;
	s30 =	smax.u32 s14, $0x1;
	[dreg:$0x5] =	wrdreg s1  }
0x17: {  	v1 =	vmul.u32 $0xFFFFFFE0, v0;
	s21 =	sadd.s32 $0xE0000, s2;
	[dreg:$0xe] =	wrdreg s30;
	s1 =	simm.s32 $0x1C00  }
.LBB2_1:
0x18: {  	[dreg:$0xf] =	wrdreg s10;
	s6 =	simm.s32 $0x0  }
0x19: {  	s7 =	rddreg [dreg:$0x6];
	s14 =	simm.s32 $0x200;
	s11 =	simm.s32 $0x3  }
0x1a: {  	[tilespmem:s6], [sflag:$0x3] =	stream.strided.gather [hbm4b:s7+s28], $0x400, s14, s28, $0x38;
	[tilespmem:$0x1FC00] =	vst v63  }
0x1b: {  	_ =	swait.ge [sflag:s11], $0x400  }
0x1c: {  	[sflag:s11] =	ssyncset.done $0x0  }
0x1d: {  	s25 =	rddreg [dreg:$0x7];
	[sflag:s11] =	ssyncadd.s32 $0xFFFFFC00  }
0x1e: {  	[tilespmem:s31], [sflag:$0x3] =	stream.strided.gather [hbm4b:s25+s28], $0x400, s14, s28, $0x38;
	[tilespmem:$0x1FC00] =	vst v63  }
0x1f: {  	_ =	swait.ge [sflag:s11], $0x400  }
0x20: {  	[sflag:s11] =	ssyncset.done $0x0  }
0x21: {  	s30 =	rddreg [dreg:$0x3];
	[sflag:s11] =	ssyncadd.s32 $0xFFFFFC00  }
0x22: {  	[tilespmem:s0], [sflag:$0x3] =	stream.linear.gather [hbm4b:s30+s6], $0x1000, $0x38;
	[tilespmem:$0x1FC00] =	vst v63  }
0x23: {  	_ =	swait.ge [sflag:s11], $0x1000  }
0x24: {  	[sflag:s11] =	ssyncset.done $0x0  }
0x25: {  	s10 =	rddreg [dreg:$0x4];
	[sflag:s11] =	ssyncadd.s32 $0xFFFFF000  }
0x26: {  	[tilespmem:s1], [sflag:$0x3] =	stream.strided.gather [hbm4b:s10+s28], $0x4000, s31, s28, $0x38;
	[tilespmem:$0x1FC00] =	vst v63  }
0x27: {  	_ =	swait.ge [sflag:s11], $0x4000  }
0x28: {  	[sflag:s11] =	ssyncset.done $0x0  }
0x29: {  	s12 =	rddreg [dreg:$0x8];
	[sflag:s11] =	ssyncadd.s32 $0xFFFFC000  }
0x2a: {  	[tilespmem:s3], [sflag:$0x3] =	stream.strided.gather [hbm4b:s12+s28], $0x4000, s31, s28, $0x38;
	[tilespmem:$0x1FC00] =	vst v63  }
0x2b: {  	_ =	swait.ge [sflag:s11], $0x4000  }
0x2c: {  	[sflag:s11] =	ssyncset.done $0x0  }
0x2d: {  	s13 =	rddreg [dreg:$0x9];
	[sflag:s11] =	ssyncadd.s32 $0xFFFFC000  }
0x2e: {  	[tilespmem:s4], [sflag:$0x3] =	stream.strided.gather [hbm4b:s13+s28], $0x4000, s31, s28, $0x38;
	[tilespmem:$0x1FC00] =	vst v63  }
0x2f: {  	_ =	swait.ge [sflag:s11], $0x4000  }
0x30: {  	[sflag:s11] =	ssyncset.done $0x0  }
0x31: {  	s14 =	rddreg [dreg:$0xa];
	[sflag:s11] =	ssyncadd.s32 $0xFFFFC000  }
0x32: {  	[tilespmem:s5], [sflag:$0x3] =	stream.strided.gather [hbm4b:s14+s28], $0x4000, s31, s28, $0x38;
	[tilespmem:$0x1FC00] =	vst v63  }
0x33: {  	_ =	swait.ge [sflag:s11], $0x4000  }
0x34: {  	[sflag:s11] =	ssyncset.done $0x0  }
0x35: {  	s25 =	rddreg [dreg:$0xb];
	[sflag:s11] =	ssyncadd.s32 $0xFFFFC000  }
0x36: {  	[tilespmem:s29], [sflag:$0x3] =	stream.strided.gather [hbm4b:s25+s28], $0x4000, s31, s28, $0x38;
	[tilespmem:$0x1FC00] =	vst v63  }
0x37: {  	_ =	swait.ge [sflag:s11], $0x4000  }
0x38: {  	[sflag:s11] =	ssyncset.done $0x0  }
0x39: {  	s30 =	rddreg [dreg:$0xc];
	[sflag:s11] =	ssyncadd.s32 $0xFFFFC000  }
0x3a: {  	[tilespmem:s8], [sflag:$0x3] =	stream.strided.gather [hbm4b:s30+s28], $0x4000, s31, s28, $0x38;
	[tilespmem:$0x1FC00] =	vst v63  }
0x3b: {  	_ =	swait.ge [sflag:s11], $0x4000  }
0x3c: {  	[sflag:s11] =	ssyncset.done $0x0  }
0x3d: {  	s6 =	simm.s32 $0x0;
	[sflag:s11] =	ssyncadd.s32 $0xFFFFC000  }
0x3e: {  	v2 =	vld [tilespmem:s6+$0x0];
	_ =	sdelay $0x1  }
0x3f: {  	v3 =	vld [tilespmem:s6+$0x400];
	_ =	sdelay $0x2  }
0x40: {  	v2 =	vmul.f32 $1.280000000e+02, v2;
	_ =	sdelay $0x1  }
0x41: {  	s7 =	simm.s32 $0x10;
	v3 =	vmul.f32 $1.280000000e+02, v3;
	v2 =	vtrunc.f32 v2  }
0x42: {  	v5 =	vcvt.f32.s32 v2;
	v2 =	vld [tilespmem:s7+$0x0]  }
0x43: {  	v4 =	vtrunc.f32 v3;
	v3 =	vld [tilespmem:s7+$0x400];
	_ =	sdelay $0x1  }
0x44: {  	v4 =	vcvt.f32.s32 v4  }
0x45: {  	s10 =	simm.s32 $0x80;
	v5 =	vshll.u32 v5, $0x8  }
.LBB2_2:
0x46: {  	s11 =	sshra.s32 s10, $0x2;
	p0 =	sne.s32 s10, $0xFC0;
	s10 =	sadd.s32 $0x40, s10;
	v6 =	vmul.f32 $1.280000000e+02, v2;
	v4 =	vadd.s32 v4, v5  }
.Ltmp0:
0x47: {  	v2 =	vld [tilespmem:s11+$0x0];
	v5 =	vmul.f32 $1.280000000e+02, v3;
	[tilespmem:s6+$0x800] =	vst v4;
	s6 =	smov.u32 s7;
	(pc) =	sbr.rel @p0 .LBB2_2-.Ltmp0, $4  }
0x48: {  	s7 =	smov.u32 s11;
	v3 =	vld [tilespmem:s11+$0x400];
	v4 =	vtrunc.f32 v6  }
0x49: {  	v6 =	vcvt.f32.s32 v4;
	v4 =	vtrunc.f32 v5  }
0x4a: {  	v4 =	vcvt.f32.s32 v4  }
0x4b: {  	v5 =	vshll.u32 v6, $0x8  }
0x4c: {  	v2 =	vmul.f32 $1.280000000e+02, v2  }
0x4d: {  	v3 =	vmul.f32 $1.280000000e+02, v3  }
0x4e: {  	v2 =	vtrunc.f32 v2  }
0x4f: {  	v2 =	vcvt.f32.s32 v2;
	v3 =	vtrunc.f32 v3  }
0x50: {  	v3 =	vcvt.f32.s32 v3  }
0x51: {  	v4 =	vadd.s32 v4, v5;
	v2 =	vshll.u32 v2, $0x8  }
0x52: {  	[tilespmem:s6+$0x800] =	vst v4;
	v2 =	vadd.s32 v3, v2  }
0x53: {  	s13 =	simm.s32 $0x0;
	[tilespmem:s7+$0x800] =	vst v2  }
.LBB2_4:
0x54: {  	s12 =	sshll.u32 s13, $0x1  }
0x55: {  	s25 =	sor.u32 s15, s12  }
0x56: {  	v2 =	vmov s25  }
0x57: {  	v2 =	vand.u32 $0xFFFFFFFE, v2  }
0x58: {  	v2 =	vbroadcast v2, $0x0  }
0x59: {  	p0 =	seq.s32 s13, $0x0  }
0x5a: {  	s6 =	simm.s32 @!p0 $0x1  }
0x5b: {  	_ =	swait.ge @!p0 [sflag:s6], $0x3000  }
0x5c: {  	[sflag:s6] =	ssyncset.done @!p0 $0x0  }
0x5d: {  	[sflag:s6] =	ssyncadd.s32 @!p0 $0xFFFFD000  }
0x5e: {  	s10 =	simm.s32 $0x0;
	v2 =	vld.idx.msk [tilespmem:v2+s9+$0x0], $0xffff  }
0x5f: {  	v4 =	vld [tilespmem:s10+$0x830];
	_ =	sdelay $0x3  }
0x60: {  	v3 =	vadd.s32 $0x7F7F, v2  }
0x61: {  	v2 =	vld [tilespmem:s10+$0x800];
	v4 =	vsub.s32 v3, v4  }
0x62: {  	v5 =	vshrl.u32 v4, $0x4  }
0x63: {  	v6 =	vld [tilespmem:s10+$0x810];
	v4 =	vshll.u32 v4, $0x4;
	v5 =	vand.u32 $0xFF0, v5  }
0x64: {  	v4 =	vor.u32 v0, v4;
	v5 =	vor.u32 v0, v5  }
0x65: {  	v7 =	vld [tilespmem:s10+$0x820];
	v4 =	vand.u32 $0xFFF, v4  }
0x66: {  	v2 =	vsub.s32 v3, v2  }
0x67: {  	v8 =	vshrl.u32 v2, $0x4  }
0x68: {  	v6 =	vsub.s32 v3, v6;
	v2 =	vshll.u32 v2, $0x4;
	v8 =	vand.u32 $0xFF0, v8  }
0x69: {  	v9 =	vshrl.u32 v6, $0x4;
	v2 =	vor.u32 v0, v2;
	v8 =	vor.u32 v0, v8;
	v5 =	vld.idx.msk [tilespmem:v5+s0+$0x0], $0xffff  }
0x6a: {  	v7 =	vsub.s32 v3, v7;
	v9 =	vand.u32 $0xFF0, v9;
	v2 =	vand.u32 $0xFFF, v2;
	v4 =	vld.idx.msk [tilespmem:v4+s0+$0x0], $0xffff  }
0x6b: {  	v10 =	vshrl.u32 v7, $0x4;
	v7 =	vshll.u32 v7, $0x4;
	v9 =	vor.u32 v0, v9  }
0x6c: {  	v6 =	vshll.u32 v6, $0x4;
	v7 =	vor.u32 v0, v7  }
0x6d: {  	v6 =	vor.u32 v0, v6;
	v7 =	vand.u32 $0xFFF, v7  }
0x6e: {  	v10 =	vand.u32 $0xFF0, v10;
	v6 =	vand.u32 $0xFFF, v6;
	v8 =	vld.idx.msk [tilespmem:v8+s0+$0x0], $0xffff;
	v5 =	vshll.u32 v5, $0x5  }
0x6f: {  	v10 =	vor.u32 v0, v10;
	v2 =	vld.idx.msk [tilespmem:v2+s0+$0x0], $0xffff;
	v4 =	vadd.s32 v5, v4  }
0x70: {  	v5 =	vld.idx.msk [tilespmem:v9+s0+$0x0], $0xffff;
	v9 =	vadd.s32 v1, v4;
	_ =	sdelay $0x1  }
0x71: {  	v7 =	vld.idx.msk [tilespmem:v7+s0+$0x0], $0xffff  }
0x72: {  	v4 =	vld.idx.msk [tilespmem:v6+s0+$0x0], $0xffff  }
0x73: {  	v6 =	vld.idx.msk [tilespmem:v10+s0+$0x0], $0xffff;
	v8 =	vshll.u32 v8, $0x5  }
0x74: {  	v2 =	vadd.s32 v8, v2;
	v10 =	vld.idx.msk [tilespmem:v9+s1+$0x0], $0xffff  }
0x75: {  	v8 =	vshll.u32 v5, $0x5;
	v5 =	vadd.s32 v1, v2;
	_ =	sdelay $0x1  }
0x76: {  	v2 =	vadd.s32 v8, v4  }
0x77: {  	v4 =	vadd.s32 v1, v2;
	v2 =	vshll.u32 v6, $0x5  }
0x78: {  	v2 =	vadd.s32 v2, v7;
	v7 =	vand.u32 $0xFFFF0000, v10  }
0x79: {  	v2 =	vadd.s32 v1, v2;
	v6 =	vld.idx.msk [tilespmem:v5+s1+$0x0], $0xffff;
	[tilespmem:s10+$0x19C30] =	vst v7;
	v7 =	vshll.u32 v10, $0x10  }
0x7a: {  	[tilespmem:s10+$0x1A030] =	vst v7  }
0x7b: {  	v7 =	vld.idx.msk [tilespmem:v9+s3+$0x0], $0xffff;
	_ =	sdelay $0x1  }
0x7c: {  	v8 =	vld.idx.msk [tilespmem:v4+s1+$0x0], $0xffff  }
0x7d: {  	v11 =	vld.idx.msk [tilespmem:v2+s1+$0x0], $0xffff;
	v10 =	vand.u32 $0xFFFF0000, v6  }
0x7e: {  	v6 =	vshll.u32 v6, $0x10;
	[tilespmem:s10+$0x19C00] =	vst v10  }
0x7f: {  	s11 =	simm.s32 $0x40;
	[tilespmem:s10+$0x1A000] =	vst v6;
	v6 =	vand.u32 $0xFFFF0000, v7  }
0x80: {  	v12 =	vld [tilespmem:s11+$0x800];
	[tilespmem:s10+$0x1A430] =	vst v6;
	v6 =	vshll.u32 v7, $0x10  }
0x81: {  	v10 =	vand.u32 $0xFFFF0000, v8;
	v7 =	vshll.u32 v8, $0x10;
	v8 =	vld.idx.msk [tilespmem:v5+s3+$0x0], $0xffff;
	[tilespmem:s10+$0x1A830] =	vst v6  }
0x82: {  	v6 =	vand.u32 $0xFFFF0000, v11;
	[tilespmem:s10+$0x1A010] =	vst v7;
	v7 =	vld.idx.msk [tilespmem:v9+s4+$0x0], $0xffff  }
0x83: {  	[tilespmem:s10+$0x19C20] =	vst v6;
	v6 =	vld [tilespmem:s11+$0x830]  }
0x84: {  	v14 =	vld [tilespmem:s11+$0x810]  }
0x85: {  	v16 =	vld [tilespmem:s11+$0x820];
	[tilespmem:s10+$0x19C10] =	vst v10;
	v10 =	vshll.u32 v11, $0x10  }
0x86: {  	[tilespmem:s10+$0x1A020] =	vst v10;
	v13 =	vand.u32 $0xFFFF0000, v8;
	v8 =	vshll.u32 v8, $0x10  }
0x87: {  	v11 =	vld.idx.msk [tilespmem:v4+s3+$0x0], $0xffff;
	[tilespmem:s10+$0x1A800] =	vst v8;
	v15 =	vand.u32 $0xFFFF0000, v7  }
0x88: {  	v7 =	vshll.u32 v7, $0x10;
	v6 =	vsub.s32 v3, v6;
	[tilespmem:s10+$0x1AC30] =	vst v15  }
0x89: {  	v10 =	vld.idx.msk [tilespmem:v2+s3+$0x0], $0xffff;
	v8 =	vsub.s32 v3, v12;
	v12 =	vsub.s32 v3, v14;
	[tilespmem:s10+$0x1B030] =	vst v7;
	v7 =	vshll.u32 v6, $0x4  }
0x8a: {  	[tilespmem:s10+$0x1A400] =	vst v13;
	v13 =	vsub.s32 v3, v16;
	v6 =	vshrl.u32 v6, $0x4;
	v18 =	vld.idx.msk [tilespmem:v9+s5+$0x0], $0xffff;
	v7 =	vor.u32 v0, v7  }
0x8b: {  	v14 =	vshrl.u32 v8, $0x4;
	v6 =	vand.u32 $0xFF0, v6;
	v7 =	vand.u32 $0xFFF, v7  }
0x8c: {  	v16 =	vshrl.u32 v13, $0x4;
	v15 =	vand.u32 $0xFFFF0000, v11;
	v6 =	vor.u32 v0, v6  }
0x8d: {  	v8 =	vshll.u32 v8, $0x4;
	v11 =	vshll.u32 v11, $0x10;
	v14 =	vand.u32 $0xFF0, v14;
	[tilespmem:s10+$0x1A410] =	vst v15  }
0x8e: {  	v17 =	vand.u32 $0xFFFF0000, v10;
	v16 =	vand.u32 $0xFF0, v16;
	[tilespmem:s10+$0x1A810] =	vst v11;
	v11 =	vld.idx.msk [tilespmem:v5+s4+$0x0], $0xffff;
	v14 =	vor.u32 v0, v14  }
0x8f: {  	v8 =	vor.u32 v0, v8;
	[tilespmem:s10+$0x1A420] =	vst v17;
	v16 =	vor.u32 v0, v16;
	v19 =	vld.idx.msk [tilespmem:v4+s4+$0x0], $0xffff;
	v17 =	vand.u32 $0xFFFF0000, v18  }
0x90: {  	v15 =	vshrl.u32 v12, $0x4;
	v8 =	vand.u32 $0xFFF, v8;
	v7 =	vld.idx.msk [tilespmem:v7+s0+$0x0], $0xffff;
	[tilespmem:s10+$0x1B430] =	vst v17;
	v17 =	vshll.u32 v18, $0x10  }
0x91: {  	v10 =	vshll.u32 v10, $0x10;
	v12 =	vshll.u32 v12, $0x4;
	v15 =	vand.u32 $0xFF0, v15;
	v6 =	vld.idx.msk [tilespmem:v6+s0+$0x0], $0xffff;
	[tilespmem:s10+$0x1B830] =	vst v17  }
0x92: {  	[tilespmem:s10+$0x1A820] =	vst v10;
	v10 =	vor.u32 v0, v12;
	v15 =	vor.u32 v0, v15;
	v12 =	vld.idx.msk [tilespmem:v9+s29+$0x0], $0xffff  }
0x93: {  	v10 =	vand.u32 $0xFFF, v10;
	v14 =	vld.idx.msk [tilespmem:v14+s0+$0x0], $0xffff  }
0x94: {  	v13 =	vshll.u32 v13, $0x4;
	v16 =	vld.idx.msk [tilespmem:v16+s0+$0x0], $0xffff  }
0x95: {  	v13 =	vor.u32 v0, v13;
	v8 =	vld.idx.msk [tilespmem:v8+s0+$0x0], $0xffff;
	v18 =	vand.u32 $0xFFFF0000, v11  }
0x96: {  	v13 =	vand.u32 $0xFFF, v13;
	v11 =	vshll.u32 v11, $0x10;
	v17 =	vld.idx.msk [tilespmem:v2+s4+$0x0], $0xffff;
	[tilespmem:s10+$0x1AC00] =	vst v18;
	v6 =	vshll.u32 v6, $0x5  }
0x97: {  	v15 =	vld.idx.msk [tilespmem:v15+s0+$0x0], $0xffff;
	[tilespmem:s10+$0x1B000] =	vst v11;
	v6 =	vadd.s32 v6, v7;
	v7 =	vand.u32 $0xFFFF0000, v12  }
0x98: {  	v10 =	vld.idx.msk [tilespmem:v10+s0+$0x0], $0xffff;
	v6 =	vadd.s32 v1, v6;
	[tilespmem:s10+$0x1BC30] =	vst v7;
	v7 =	vshll.u32 v12, $0x10  }
0x99: {  	v11 =	vand.u32 $0xFFFF0000, v19;
	v12 =	vld.idx.msk [tilespmem:v5+s5+$0x0], $0xffff;
	[tilespmem:s10+$0x1C030] =	vst v7  }
0x9a: {  	[tilespmem:s10+$0x1AC10] =	vst v11;
	v7 =	vshll.u32 v19, $0x10;
	v11 =	vld.idx.msk [tilespmem:v9+s8+$0x0], $0xffff  }
0x9b: {  	[tilespmem:s10+$0x1B010] =	vst v7;
	v7 =	vld.idx.msk [tilespmem:v13+s0+$0x0], $0xffff;
	v9 =	vshll.u32 v14, $0x5  }
0x9c: {  	v13 =	vand.u32 $0xFFFF0000, v17;
	v14 =	vld.idx.msk [tilespmem:v4+s5+$0x0], $0xffff;
	v8 =	vadd.s32 v9, v8  }
0x9d: {  	v17 =	vshll.u32 v17, $0x10;
	[tilespmem:s10+$0x1AC20] =	vst v13;
	v13 =	vshll.u32 v15, $0x5;
	v9 =	vadd.s32 v1, v8;
	v15 =	vld.idx.msk [tilespmem:v6+s1+$0x0], $0xffff  }
0x9e: {  	[tilespmem:s10+$0x1B020] =	vst v17;
	v8 =	vadd.s32 v13, v10;
	v10 =	vand.u32 $0xFFFF0000, v12  }
0x9f: {  	v8 =	vadd.s32 v1, v8;
	v12 =	vshll.u32 v12, $0x10;
	[tilespmem:s10+$0x1B400] =	vst v10  }
0xa0: {  	v13 =	vshll.u32 v16, $0x5;
	v16 =	vld.idx.msk [tilespmem:v2+s5+$0x0], $0xffff;
	[tilespmem:s10+$0x1B800] =	vst v12;
	v10 =	vshll.u32 v11, $0x10  }
0xa1: {  	[tilespmem:s10+$0x1C830] =	vst v10;
	v10 =	vand.u32 $0xFFFF0000, v14  }
0xa2: {  	v7 =	vadd.s32 v13, v7;
	v12 =	vld.idx.msk [tilespmem:v9+s1+$0x0], $0xffff;
	v13 =	vand.u32 $0xFFFF0000, v15;
	[tilespmem:s10+$0x1B410] =	vst v10  }
0xa3: {  	v7 =	vadd.s32 v1, v7;
	v10 =	vshll.u32 v15, $0x10;
	[tilespmem:s11+$0x19C30] =	vst v13  }
0xa4: {  	v13 =	vshll.u32 v14, $0x10;
	v14 =	vld.idx.msk [tilespmem:v8+s1+$0x0], $0xffff;
	[tilespmem:s11+$0x1A030] =	vst v10  }
0xa5: {  	v10 =	vand.u32 $0xFFFF0000, v16;
	[tilespmem:s10+$0x1B810] =	vst v13  }
0xa6: {  	v13 =	vshll.u32 v16, $0x10;
	v15 =	vld.idx.msk [tilespmem:v6+s3+$0x0], $0xffff;
	[tilespmem:s10+$0x1B420] =	vst v10  }
0xa7: {  	[tilespmem:s10+$0x1B820] =	vst v13;
	v10 =	vand.u32 $0xFFFF0000, v12  }
0xa8: {  	v16 =	vld.idx.msk [tilespmem:v7+s1+$0x0], $0xffff;
	v12 =	vshll.u32 v12, $0x10;
	[tilespmem:s11+$0x19C00] =	vst v10  }
0xa9: {  	v13 =	vld.idx.msk [tilespmem:v5+s29+$0x0], $0xffff;
	v10 =	vand.u32 $0xFFFF0000, v14;
	[tilespmem:s11+$0x1A000] =	vst v12  }
0xaa: {  	v20 =	vld.idx.msk [tilespmem:v4+s29+$0x0], $0xffff;
	v12 =	vshll.u32 v14, $0x10;
	[tilespmem:s11+$0x19C10] =	vst v10  }
0xab: {  	v21 =	vld.idx.msk [tilespmem:v2+s29+$0x0], $0xffff;
	[tilespmem:s11+$0x1A010] =	vst v12;
	v10 =	vand.u32 $0xFFFF0000, v15  }
0xac: {  	v12 =	vshll.u32 v15, $0x10;
	v18 =	vld.idx.msk [tilespmem:v9+s3+$0x0], $0xffff;
	[tilespmem:s11+$0x1A430] =	vst v10  }
0xad: {  	v10 =	vand.u32 $0xFFFF0000, v11;
	[tilespmem:s11+$0x1A830] =	vst v12;
	v11 =	vand.u32 $0xFFFF0000, v16  }
0xae: {  	v19 =	vand.u32 $0xFFFF0000, v13;
	v17 =	vld.idx.msk [tilespmem:v8+s3+$0x0], $0xffff;
	[tilespmem:s11+$0x19C20] =	vst v11  }
0xaf: {  	v12 =	vshll.u32 v13, $0x10;
	v15 =	vand.u32 $0xFFFF0000, v20;
	v22 =	vshll.u32 v16, $0x10;
	s14 =	rddreg [dreg:$0x5]  }
0xb0: {  	s30 =	simm.s32 $0x40;
	v13 =	vshll.u32 v20, $0x10;
	v16 =	vld.idx.msk [tilespmem:v6+s4+$0x0], $0xffff;
	v14 =	vand.u32 $0xFFFF0000, v21;
	v11 =	vshll.u32 v21, $0x10;
	[tilespmem:s11+$0x1A020] =	vst v22;
	s14 =	sadd.s32 s14, s12;
	s12 =	simm.s32 $0x200  }
.LBB2_5:
0xb1: {  	s6 =	sshra.s32 s12, $0x2;
	v20 =	vand.u32 $0xFFFF0000, v18;
	v18 =	vshll.u32 v18, $0x10;
	v21 =	vld.idx.msk [tilespmem:v7+s3+$0x0], $0xffff;
	[tilespmem:s10+$0x1BC00] =	vst v19  }
0xb2: {  	v19 =	vld [tilespmem:s6+$0x830];
	[tilespmem:s11+$0x1A400] =	vst v20  }
0xb3: {  	v20 =	vld [tilespmem:s6+$0x800];
	[tilespmem:s11+$0x1A800] =	vst v18;
	v18 =	vand.u32 $0xFFFF0000, v17;
	v17 =	vshll.u32 v17, $0x10  }
0xb4: {  	v22 =	vld [tilespmem:s6+$0x810];
	[tilespmem:s11+$0x1A410] =	vst v18  }
0xb5: {  	v18 =	vld [tilespmem:s6+$0x820];
	[tilespmem:s11+$0x1A810] =	vst v17;
	v17 =	vand.u32 $0xFFFF0000, v16  }
0xb6: {  	v16 =	vshll.u32 v16, $0x10;
	v23 =	vld.idx.msk [tilespmem:v9+s4+$0x0], $0xffff;
	[tilespmem:s11+$0x1AC30] =	vst v17  }
0xb7: {  	s30 =	sadd.s32 $0x40, s30;
	v24 =	vand.u32 $0xFFFF0000, v21;
	v21 =	vshll.u32 v21, $0x10;
	v17 =	vsub.s32 v3, v19;
	v19 =	vld.idx.msk [tilespmem:v8+s4+$0x0], $0xffff;
	[tilespmem:s11+$0x1B030] =	vst v16  }
0xb8: {  	p1 =	slt.u32 s30, $0x3C0;
	v16 =	vsub.s32 v3, v20;
	v20 =	vshll.u32 v17, $0x4;
	[tilespmem:s11+$0x1A420] =	vst v24;
	v24 =	vld.idx.msk [tilespmem:v6+s5+$0x0], $0xffff  }
0xb9: {  	v17 =	vshrl.u32 v17, $0x4;
	v22 =	vsub.s32 v3, v22;
	v20 =	vor.u32 v0, v20;
	[tilespmem:s11+$0x1A820] =	vst v21  }
0xba: {  	v17 =	vand.u32 $0xFF0, v17;
	v18 =	vsub.s32 v3, v18;
	v20 =	vand.u32 $0xFFF, v20;
	v21 =	vld.idx.msk [tilespmem:v7+s4+$0x0], $0xffff;
	[tilespmem:s10+$0x1C000] =	vst v12  }
0xbb: {  	v12 =	vshrl.u32 v16, $0x4;
	v25 =	vshrl.u32 v22, $0x4;
	v17 =	vor.u32 v0, v17;
	v26 =	vld.idx.msk [tilespmem:v5+s8+$0x0], $0xffff;
	[tilespmem:s10+$0x1BC10] =	vst v15;
	v5 =	vmovc v9  }
0xbc: {  	v9 =	vand.u32 $0xFF0, v12;
	v12 =	vand.u32 $0xFF0, v25;
	v15 =	vshrl.u32 v18, $0x4;
	[tilespmem:s10+$0x1C010] =	vst v13  }
0xbd: {  	v13 =	vshll.u32 v16, $0x4;
	v16 =	vshll.u32 v22, $0x4;
	v15 =	vand.u32 $0xFF0, v15;
	v22 =	vld.idx.msk [tilespmem:v4+s8+$0x0], $0xffff;
	[tilespmem:s10+$0x1BC20] =	vst v14;
	v4 =	vmovc v8  }
0xbe: {  	v8 =	vor.u32 v0, v9;
	v9 =	vshll.u32 v18, $0x4;
	v14 =	vand.u32 $0xFFFF0000, v24;
	[tilespmem:s10+$0x1C020] =	vst v11  }
0xbf: {  	v11 =	vor.u32 v0, v12;
	v12 =	vor.u32 v0, v15;
	v15 =	vld.idx.msk [tilespmem:v20+s0+$0x0], $0xffff;
	[tilespmem:s11+$0x1B430] =	vst v14;
	v14 =	vshll.u32 v24, $0x10  }
0xc0: {  	v13 =	vor.u32 v0, v13;
	v16 =	vor.u32 v0, v16;
	v18 =	vand.u32 $0xFFFF0000, v23;
	v17 =	vld.idx.msk [tilespmem:v17+s0+$0x0], $0xffff;
	[tilespmem:s11+$0x1B830] =	vst v14  }
0xc1: {  	v13 =	vand.u32 $0xFFF, v13;
	v9 =	vor.u32 v0, v9;
	v14 =	vand.u32 $0xFFF, v16;
	[tilespmem:s11+$0x1AC00] =	vst v18;
	v16 =	vld.idx.msk [tilespmem:v6+s29+$0x0], $0xffff  }
0xc2: {  	v9 =	vand.u32 $0xFFF, v9;
	v20 =	vand.u32 $0xFFFF0000, v19;
	v18 =	vshll.u32 v23, $0x10;
	v23 =	vld.idx.msk [tilespmem:v2+s8+$0x0], $0xffff;
	[tilespmem:s10+$0x1C430] =	vst v10;
	v2 =	vmovc v7  }
0xc3: {  	v10 =	vand.u32 $0xFFFF0000, v21;
	v7 =	vld.idx.msk [tilespmem:v8+s0+$0x0], $0xffff;
	[tilespmem:s11+$0x1B000] =	vst v18;
	v8 =	vshll.u32 v19, $0x10;
	v18 =	vshll.u32 v21, $0x10  }
0xc4: {  	v19 =	vand.u32 $0xFFFF0000, v26;
	v21 =	vand.u32 $0xFFFF0000, v22;
	v11 =	vld.idx.msk [tilespmem:v11+s0+$0x0], $0xffff;
	[tilespmem:s11+$0x1AC10] =	vst v20;
	v20 =	vshll.u32 v26, $0x10  }
0xc5: {  	v12 =	vld.idx.msk [tilespmem:v12+s0+$0x0], $0xffff;
	[tilespmem:s11+$0x1B010] =	vst v8;
	v8 =	vshll.u32 v22, $0x10  }
0xc6: {  	v17 =	vshll.u32 v17, $0x5;
	v13 =	vld.idx.msk [tilespmem:v13+s0+$0x0], $0xffff;
	[tilespmem:s11+$0x1AC20] =	vst v10  }
0xc7: {  	v10 =	vld.idx.msk [tilespmem:v14+s0+$0x0], $0xffff;
	v14 =	vadd.s32 v17, v15;
	[tilespmem:s11+$0x1B020] =	vst v18;
	v15 =	vand.u32 $0xFFFF0000, v16  }
0xc8: {  	v17 =	vld.idx.msk [tilespmem:v9+s0+$0x0], $0xffff;
	v14 =	vadd.s32 v1, v14;
	[tilespmem:s11+$0x1BC30] =	vst v15;
	v9 =	vshll.u32 v16, $0x10;
	v15 =	vand.u32 $0xFFFF0000, v23  }
0xc9: {  	v18 =	vshll.u32 v23, $0x10;
	v7 =	vshll.u32 v7, $0x5;
	v16 =	vld.idx.msk [tilespmem:v5+s5+$0x0], $0xffff;
	[tilespmem:s11+$0x1C030] =	vst v9  }
0xca: {  	v11 =	vshll.u32 v11, $0x5;
	v22 =	vld.idx.msk [tilespmem:v6+s8+$0x0], $0xffff;
	[tilespmem:s10+$0x1C400] =	vst v19;
	v6 =	vmov v14  }
0xcb: {  	v12 =	vshll.u32 v12, $0x5;
	v19 =	vld.idx.msk [tilespmem:v4+s5+$0x0], $0xffff;
	[tilespmem:s10+$0x1C800] =	vst v20  }
0xcc: {  	v7 =	vadd.s32 v7, v13;
	v13 =	vld.idx.msk [tilespmem:v2+s5+$0x0], $0xffff;
	[tilespmem:s10+$0x1C410] =	vst v21  }
0xcd: {  	v9 =	vadd.s32 v1, v7;
	v7 =	vadd.s32 v11, v10;
	v11 =	vld.idx.msk [tilespmem:v14+s1+$0x0], $0xffff;
	[tilespmem:s10+$0x1C810] =	vst v8  }
0xce: {  	v8 =	vadd.s32 v1, v7;
	v7 =	vadd.s32 v12, v17;
	[tilespmem:s10+$0x1C420] =	vst v15  }
0xcf: {  	v7 =	vadd.s32 v1, v7;
	v10 =	vand.u32 $0xFFFF0000, v16;
	v12 =	vshll.u32 v16, $0x10;
	[tilespmem:s10+$0x1C820] =	vst v18;
	s10 =	smov.u32 s11;
	s11 =	smov.u32 s6  }
0xd0: {  	v14 =	vshll.u32 v22, $0x10;
	[tilespmem:s10+$0x1B400] =	vst v10;
	v10 =	vand.u32 $0xFFFF0000, v22  }
0xd1: {  	v15 =	vand.u32 $0xFFFF0000, v19;
	v16 =	vshll.u32 v19, $0x10;
	[tilespmem:s10+$0x1C830] =	vst v14  }
0xd2: {  	v14 =	vld.idx.msk [tilespmem:v9+s1+$0x0], $0xffff;
	[tilespmem:s10+$0x1B800] =	vst v12;
	v12 =	vand.u32 $0xFFFF0000, v13;
	v13 =	vshll.u32 v13, $0x10  }
0xd3: {  	v18 =	vand.u32 $0xFFFF0000, v11;
	v17 =	vld.idx.msk [tilespmem:v8+s1+$0x0], $0xffff;
	[tilespmem:s10+$0x1B410] =	vst v15  }
0xd4: {  	v11 =	vshll.u32 v11, $0x10;
	v15 =	vld.idx.msk [tilespmem:v7+s1+$0x0], $0xffff;
	[tilespmem:s11+$0x19C30] =	vst v18  }
0xd5: {  	[tilespmem:s11+$0x1A030] =	vst v11;
	v11 =	vld.idx.msk [tilespmem:v5+s29+$0x0], $0xffff  }
0xd6: {  	v20 =	vld.idx.msk [tilespmem:v6+s3+$0x0], $0xffff;
	[tilespmem:s10+$0x1B810] =	vst v16  }
0xd7: {  	v16 =	vld.idx.msk [tilespmem:v4+s29+$0x0], $0xffff;
	[tilespmem:s10+$0x1B420] =	vst v12  }
0xd8: {  	v12 =	vand.u32 $0xFFFF0000, v14;
	v14 =	vshll.u32 v14, $0x10;
	[tilespmem:s10+$0x1B820] =	vst v13  }
0xd9: {  	v13 =	vshll.u32 v17, $0x10;
	[tilespmem:s11+$0x19C00] =	vst v12;
	v12 =	vand.u32 $0xFFFF0000, v17;
	v21 =	vld.idx.msk [tilespmem:v2+s29+$0x0], $0xffff  }
0xda: {  	v22 =	vshll.u32 v15, $0x10;
	[tilespmem:s11+$0x1A000] =	vst v14;
	v14 =	vand.u32 $0xFFFF0000, v15  }
0xdb: {  	v19 =	vand.u32 $0xFFFF0000, v11;
	v18 =	vld.idx.msk [tilespmem:v9+s3+$0x0], $0xffff;
	[tilespmem:s11+$0x19C10] =	vst v12;
	v12 =	vshll.u32 v11, $0x10  }
.Ltmp1:
0xdc: {  	v11 =	vand.u32 $0xFFFF0000, v20;
	[tilespmem:s11+$0x1A010] =	vst v13;
	(pc) =	sbr.rel @p1 .LBB2_5-.Ltmp1, $4  }
0xdd: {  	v15 =	vand.u32 $0xFFFF0000, v16;
	v13 =	vshll.u32 v16, $0x10;
	v17 =	vld.idx.msk [tilespmem:v8+s3+$0x0], $0xffff;
	[tilespmem:s11+$0x1A430] =	vst v11;
	v11 =	vshll.u32 v20, $0x10  }
0xde: {  	[tilespmem:s11+$0x1A830] =	vst v11  }
0xdf: {  	v11 =	vshll.u32 v21, $0x10;
	[tilespmem:s11+$0x19C20] =	vst v14;
	v16 =	vld.idx.msk [tilespmem:v6+s4+$0x0], $0xffff;
	v14 =	vand.u32 $0xFFFF0000, v21  }
0xe0: {  	s12 =	sadd.s32 $0x100, s12;
	[tilespmem:s11+$0x1A020] =	vst v22  }
0xe1: {  	_ = 	snop  }
0xe2: {  	[tilespmem:s10+$0x1BC00] =	vst v19  }
0xe3: {  	[tilespmem:s10+$0x1C000] =	vst v12  }
0xe4: {  	[tilespmem:s10+$0x1BC10] =	vst v15  }
0xe5: {  	v19 =	vld.idx.msk [tilespmem:v7+s3+$0x0], $0xffff;
	[tilespmem:s10+$0x1C010] =	vst v13  }
0xe6: {  	v3 =	vand.u32 $0xFFFF0000, v18;
	[tilespmem:s10+$0x1BC20] =	vst v14  }
0xe7: {  	[tilespmem:s11+$0x1A400] =	vst v3;
	v3 =	vand.u32 $0xFFFF0000, v17  }
0xe8: {  	[tilespmem:s11+$0x1A410] =	vst v3;
	v3 =	vand.u32 $0xFFFF0000, v16  }
0xe9: {  	[tilespmem:s11+$0x1AC30] =	vst v3;
	v3 =	vshll.u32 v16, $0x10  }
0xea: {  	v16 =	vand.u32 $0xFFFF0000, v19;
	[tilespmem:s11+$0x1B030] =	vst v3  }
0xeb: {  	v17 =	vshll.u32 v17, $0x10;
	[tilespmem:s11+$0x1A420] =	vst v16;
	v16 =	vld.idx.msk [tilespmem:v6+s5+$0x0], $0xffff  }
0xec: {  	v18 =	vshll.u32 v18, $0x10;
	[tilespmem:s11+$0x1A810] =	vst v17  }
0xed: {  	[tilespmem:s11+$0x1A800] =	vst v18;
	v12 =	vld.idx.msk [tilespmem:v8+s4+$0x0], $0xffff;
	v3 =	vshll.u32 v19, $0x10  }
0xee: {  	[tilespmem:s11+$0x1A820] =	vst v3;
	v3 =	vld.idx.msk [tilespmem:v9+s4+$0x0], $0xffff  }
0xef: {  	[tilespmem:s10+$0x1C020] =	vst v11  }
0xf0: {  	[tilespmem:s10+$0x1C430] =	vst v10;
	v13 =	vand.u32 $0xFFFF0000, v16  }
0xf1: {  	v11 =	vshll.u32 v16, $0x10;
	[tilespmem:s11+$0x1B430] =	vst v13;
	v13 =	vld.idx.msk [tilespmem:v7+s4+$0x0], $0xffff  }
0xf2: {  	v10 =	vand.u32 $0xFFFF0000, v12;
	[tilespmem:s11+$0x1B830] =	vst v11  }
0xf3: {  	[tilespmem:s11+$0x1AC10] =	vst v10;
	v14 =	vand.u32 $0xFFFF0000, v3;
	v11 =	vld.idx.msk [tilespmem:v6+s29+$0x0], $0xffff  }
0xf4: {  	v3 =	vshll.u32 v3, $0x10;
	[tilespmem:s11+$0x1AC00] =	vst v14  }
0xf5: {  	[tilespmem:s11+$0x1B000] =	vst v3;
	v3 =	vld.idx.msk [tilespmem:v5+s8+$0x0], $0xffff;
	v5 =	vshll.u32 v12, $0x10  }
0xf6: {  	[tilespmem:s11+$0x1B010] =	vst v5;
	v10 =	vand.u32 $0xFFFF0000, v13  }
0xf7: {  	v4 =	vld.idx.msk [tilespmem:v4+s8+$0x0], $0xffff;
	v5 =	vshll.u32 v13, $0x10;
	[tilespmem:s11+$0x1AC20] =	vst v10  }
0xf8: {  	[tilespmem:s11+$0x1B020] =	vst v5;
	v5 =	vand.u32 $0xFFFF0000, v11  }
0xf9: {  	v10 =	vld.idx.msk [tilespmem:v9+s5+$0x0], $0xffff;
	[tilespmem:s11+$0x1BC30] =	vst v5;
	v5 =	vshll.u32 v11, $0x10  }
0xfa: {  	v11 =	vand.u32 $0xFFFF0000, v3;
	[tilespmem:s11+$0x1C030] =	vst v5  }
0xfb: {  	v3 =	vshll.u32 v3, $0x10;
	[tilespmem:s10+$0x1C400] =	vst v11;
	v5 =	vld.idx.msk [tilespmem:v8+s5+$0x0], $0xffff  }
0xfc: {  	v11 =	vand.u32 $0xFFFF0000, v4;
	[tilespmem:s10+$0x1C800] =	vst v3  }
0xfd: {  	v3 =	vshll.u32 v4, $0x10;
	v4 =	vld.idx.msk [tilespmem:v7+s5+$0x0], $0xffff;
	[tilespmem:s10+$0x1C410] =	vst v11  }
0xfe: {  	[tilespmem:s10+$0x1C810] =	vst v3;
	v3 =	vand.u32 $0xFFFF0000, v10  }
0xff: {  	v2 =	vld.idx.msk [tilespmem:v2+s8+$0x0], $0xffff;
	v10 =	vshll.u32 v10, $0x10;
	[tilespmem:s11+$0x1B400] =	vst v3  }
0x100: {  	[tilespmem:s11+$0x1B800] =	vst v10;
	v3 =	vand.u32 $0xFFFF0000, v5  }
0x101: {  	v5 =	vshll.u32 v5, $0x10;
	[tilespmem:s11+$0x1B410] =	vst v3;
	v3 =	vld.idx.msk [tilespmem:v9+s29+$0x0], $0xffff  }
0x102: {  	v10 =	vand.u32 $0xFFFF0000, v4;
	[tilespmem:s11+$0x1B810] =	vst v5  }
0x103: {  	v4 =	vshll.u32 v4, $0x10;
	[tilespmem:s11+$0x1B420] =	vst v10;
	v5 =	vld.idx.msk [tilespmem:v8+s29+$0x0], $0xffff  }
0x104: {  	v10 =	vand.u32 $0xFFFF0000, v2;
	[tilespmem:s11+$0x1B820] =	vst v4  }
0x105: {  	v2 =	vshll.u32 v2, $0x10;
	[tilespmem:s10+$0x1C420] =	vst v10;
	v4 =	vld.idx.msk [tilespmem:v7+s29+$0x0], $0xffff  }
0x106: {  	[tilespmem:s10+$0x1C820] =	vst v2;
	v2 =	vand.u32 $0xFFFF0000, v3  }
0x107: {  	v6 =	vld.idx.msk [tilespmem:v6+s8+$0x0], $0xffff;
	v3 =	vshll.u32 v3, $0x10;
	[tilespmem:s11+$0x1BC00] =	vst v2  }
0x108: {  	v2 =	vand.u32 $0xFFFF0000, v5;
	[tilespmem:s11+$0x1C000] =	vst v3  }
0x109: {  	v3 =	vshll.u32 v5, $0x10;
	v5 =	vld.idx.msk [tilespmem:v9+s8+$0x0], $0xffff;
	[tilespmem:s11+$0x1BC10] =	vst v2  }
0x10a: {  	v2 =	vand.u32 $0xFFFF0000, v4;
	[tilespmem:s11+$0x1C010] =	vst v3  }
0x10b: {  	v3 =	vshll.u32 v4, $0x10;
	v4 =	vld.idx.msk [tilespmem:v8+s8+$0x0], $0xffff;
	[tilespmem:s11+$0x1BC20] =	vst v2  }
0x10c: {  	v2 =	vshll.u32 v6, $0x10;
	[tilespmem:s11+$0x1C020] =	vst v3  }
0x10d: {  	v3 =	vand.u32 $0xFFFF0000, v6;
	[tilespmem:s11+$0x1C830] =	vst v2;
	v2 =	vld.idx.msk [tilespmem:v7+s8+$0x0], $0xffff  }
0x10e: {  	[tilespmem:s11+$0x1C430] =	vst v3;
	v3 =	vand.u32 $0xFFFF0000, v5  }
0x10f: {  	v5 =	vshll.u32 v5, $0x10;
	[tilespmem:s11+$0x1C400] =	vst v3  }
0x110: {  	v3 =	vand.u32 $0xFFFF0000, v4;
	[tilespmem:s11+$0x1C800] =	vst v5  }
0x111: {  	s6 =	sshll.u32 s13, $0x5;
	v4 =	vshll.u32 v4, $0x10;
	[tilespmem:s11+$0x1C410] =	vst v3  }
0x112: {  	s7 =	sshll.u32 s14, $0x7;
	s10 =	sand.u32 $0x60, s6;
	v3 =	vand.u32 $0xFFFF0000, v2;
	[tilespmem:s11+$0x1C810] =	vst v4  }
0x113: {  	s30 =	sand.u32 $0xFFFFC00, s7;
	s6 =	sadd.s32 s2, s10;
	v2 =	vshll.u32 v2, $0x10;
	[tilespmem:s11+$0x1C420] =	vst v3  }
0x114: {  	s12 =	simm.s32 $0x19C00;
	s6 =	sadd.s32 s30, s6;
	[tilespmem:s11+$0x1C820] =	vst v2  }
0x115: {  	[hbm4b:s6+s28] =	stream.strided.scatter [tilespmem:s12], [sflag:$0x1], $0x400, s31, s28, $0x38;
	[tilespmem:$0x1FC00] =	vst v63  }
0x116: {  	s11 =	rddreg [dreg:$0xd]  }
0x117: {  	s6 =	sadd.s32 s10, s11  }
0x118: {  	s12 =	simm.s32 $0x1A000;
	s11 =	sadd.s32 s10, s16;
	s6 =	sadd.s32 s30, s6  }
0x119: {  	[hbm4b:s6+s28] =	stream.strided.scatter [tilespmem:s12], [sflag:$0x1], $0x400, s31, s28, $0x38;
	[tilespmem:$0x1FC00] =	vst v63  }
0x11a: {  	s6 =	sadd.s32 s30, s11;
	s12 =	simm.s32 $0x1A400;
	s11 =	sadd.s32 s10, s17  }
0x11b: {  	[hbm4b:s6+s28] =	stream.strided.scatter [tilespmem:s12], [sflag:$0x1], $0x400, s31, s28, $0x38;
	[tilespmem:$0x1FC00] =	vst v63  }
0x11c: {  	s6 =	sadd.s32 s30, s11;
	s12 =	simm.s32 $0x1A800;
	s11 =	sadd.s32 s10, s18  }
0x11d: {  	[hbm4b:s6+s28] =	stream.strided.scatter [tilespmem:s12], [sflag:$0x1], $0x400, s31, s28, $0x38;
	[tilespmem:$0x1FC00] =	vst v63  }
0x11e: {  	s6 =	sadd.s32 s30, s11;
	s12 =	simm.s32 $0x1AC00;
	s11 =	sadd.s32 s10, s19  }
0x11f: {  	[hbm4b:s6+s28] =	stream.strided.scatter [tilespmem:s12], [sflag:$0x1], $0x400, s31, s28, $0x38;
	[tilespmem:$0x1FC00] =	vst v63  }
0x120: {  	s6 =	sadd.s32 s30, s11;
	s12 =	simm.s32 $0x1B000;
	s11 =	sadd.s32 s10, s20  }
0x121: {  	[hbm4b:s6+s28] =	stream.strided.scatter [tilespmem:s12], [sflag:$0x1], $0x400, s31, s28, $0x38;
	[tilespmem:$0x1FC00] =	vst v63  }
0x122: {  	s6 =	sadd.s32 s30, s11;
	s12 =	simm.s32 $0x1B400;
	s11 =	sadd.s32 s10, s21  }
0x123: {  	[hbm4b:s6+s28] =	stream.strided.scatter [tilespmem:s12], [sflag:$0x1], $0x400, s31, s28, $0x38;
	[tilespmem:$0x1FC00] =	vst v63  }
0x124: {  	s6 =	sadd.s32 s30, s11;
	s12 =	simm.s32 $0x1B800;
	s11 =	sadd.s32 s10, s22  }
0x125: {  	[hbm4b:s6+s28] =	stream.strided.scatter [tilespmem:s12], [sflag:$0x1], $0x400, s31, s28, $0x38;
	[tilespmem:$0x1FC00] =	vst v63  }
0x126: {  	s6 =	sadd.s32 s30, s11;
	s12 =	simm.s32 $0x1BC00;
	s11 =	sadd.s32 s10, s23  }
0x127: {  	[hbm4b:s6+s28] =	stream.strided.scatter [tilespmem:s12], [sflag:$0x1], $0x400, s31, s28, $0x38;
	[tilespmem:$0x1FC00] =	vst v63  }
0x128: {  	s6 =	sadd.s32 s30, s11;
	s12 =	simm.s32 $0x1C000;
	s11 =	sadd.s32 s10, s24  }
0x129: {  	[hbm4b:s6+s28] =	stream.strided.scatter [tilespmem:s12], [sflag:$0x1], $0x400, s31, s28, $0x38;
	[tilespmem:$0x1FC00] =	vst v63  }
0x12a: {  	s6 =	sadd.s32 s30, s11;
	s12 =	simm.s32 $0x1C400;
	s11 =	sadd.s32 s10, s26  }
0x12b: {  	[hbm4b:s6+s28] =	stream.strided.scatter [tilespmem:s12], [sflag:$0x1], $0x400, s31, s28, $0x38;
	[tilespmem:$0x1FC00] =	vst v63  }
0x12c: {  	s6 =	sadd.s32 s30, s11;
	s12 =	sor.u32 $0x1, s25;
	s25 =	simm.s32 $0x1C800  }
0x12d: {  	v2 =	vmov s12;
	[hbm4b:s6+s28] =	stream.strided.scatter [tilespmem:s25], [sflag:$0x1], $0x400, s31, s28, $0x38;
	[tilespmem:$0x1FC00] =	vst v63  }
0x12e: {  	s6 =	simm.s32 @!p0 $0x2  }
0x12f: {  	_ =	swait.ge @!p0 [sflag:s6], $0x3000  }
0x130: {  	[sflag:s6] =	ssyncset.done @!p0 $0x0  }
0x131: {  	[sflag:s6] =	ssyncadd.s32 @!p0 $0xFFFFD000  }
0x132: {  	s25 =	simm.s32 $0x0;
	v2 =	vld.idx.msk [tilespmem:v2+s9+$0x0], $0xffff  }
0x133: {  	v4 =	vld [tilespmem:s25+$0x830];
	_ =	sdelay $0x3  }
0x134: {  	v3 =	vadd.s32 $0x7F7F, v2  }
0x135: {  	v2 =	vld [tilespmem:s25+$0x800];
	v4 =	vsub.s32 v3, v4  }
0x136: {  	v5 =	vshrl.u32 v4, $0x4  }
0x137: {  	v6 =	vld [tilespmem:s25+$0x810];
	v4 =	vshll.u32 v4, $0x4;
	v5 =	vand.u32 $0xFF0, v5  }
0x138: {  	v4 =	vor.u32 v0, v4;
	v5 =	vor.u32 v0, v5  }
0x139: {  	v7 =	vld [tilespmem:s25+$0x820];
	v4 =	vand.u32 $0xFFF, v4  }
0x13a: {  	v2 =	vsub.s32 v3, v2  }
0x13b: {  	v8 =	vshrl.u32 v2, $0x4  }
0x13c: {  	v6 =	vsub.s32 v3, v6;
	v2 =	vshll.u32 v2, $0x4;
	v8 =	vand.u32 $0xFF0, v8  }
0x13d: {  	v9 =	vshrl.u32 v6, $0x4;
	v2 =	vor.u32 v0, v2;
	v8 =	vor.u32 v0, v8;
	v5 =	vld.idx.msk [tilespmem:v5+s0+$0x0], $0xffff  }
0x13e: {  	v7 =	vsub.s32 v3, v7;
	v9 =	vand.u32 $0xFF0, v9;
	v2 =	vand.u32 $0xFFF, v2;
	v4 =	vld.idx.msk [tilespmem:v4+s0+$0x0], $0xffff  }
0x13f: {  	v10 =	vshrl.u32 v7, $0x4;
	v7 =	vshll.u32 v7, $0x4;
	v9 =	vor.u32 v0, v9  }
0x140: {  	v6 =	vshll.u32 v6, $0x4;
	v7 =	vor.u32 v0, v7  }
0x141: {  	v6 =	vor.u32 v0, v6;
	v7 =	vand.u32 $0xFFF, v7  }
0x142: {  	v10 =	vand.u32 $0xFF0, v10;
	v6 =	vand.u32 $0xFFF, v6;
	v8 =	vld.idx.msk [tilespmem:v8+s0+$0x0], $0xffff;
	v5 =	vshll.u32 v5, $0x5  }
0x143: {  	v10 =	vor.u32 v0, v10;
	v2 =	vld.idx.msk [tilespmem:v2+s0+$0x0], $0xffff;
	v4 =	vadd.s32 v5, v4  }
0x144: {  	v5 =	vld.idx.msk [tilespmem:v9+s0+$0x0], $0xffff;
	v9 =	vadd.s32 v1, v4;
	_ =	sdelay $0x1  }
0x145: {  	v7 =	vld.idx.msk [tilespmem:v7+s0+$0x0], $0xffff  }
0x146: {  	v4 =	vld.idx.msk [tilespmem:v6+s0+$0x0], $0xffff  }
0x147: {  	v6 =	vld.idx.msk [tilespmem:v10+s0+$0x0], $0xffff;
	v8 =	vshll.u32 v8, $0x5  }
0x148: {  	v2 =	vadd.s32 v8, v2;
	v10 =	vld.idx.msk [tilespmem:v9+s1+$0x0], $0xffff  }
0x149: {  	v8 =	vshll.u32 v5, $0x5;
	v5 =	vadd.s32 v1, v2;
	_ =	sdelay $0x1  }
0x14a: {  	v2 =	vadd.s32 v8, v4  }
0x14b: {  	v4 =	vadd.s32 v1, v2;
	v2 =	vshll.u32 v6, $0x5  }
0x14c: {  	v2 =	vadd.s32 v2, v7;
	v7 =	vand.u32 $0xFFFF0000, v10  }
0x14d: {  	v2 =	vadd.s32 v1, v2;
	v6 =	vld.idx.msk [tilespmem:v5+s1+$0x0], $0xffff;
	[tilespmem:s25+$0x1CC30] =	vst v7;
	v7 =	vshll.u32 v10, $0x10  }
0x14e: {  	[tilespmem:s25+$0x1D030] =	vst v7  }
0x14f: {  	v7 =	vld.idx.msk [tilespmem:v9+s3+$0x0], $0xffff;
	_ =	sdelay $0x1  }
0x150: {  	v8 =	vld.idx.msk [tilespmem:v4+s1+$0x0], $0xffff  }
0x151: {  	v11 =	vld.idx.msk [tilespmem:v2+s1+$0x0], $0xffff;
	v10 =	vand.u32 $0xFFFF0000, v6  }
0x152: {  	v6 =	vshll.u32 v6, $0x10;
	[tilespmem:s25+$0x1CC00] =	vst v10  }
0x153: {  	s11 =	simm.s32 $0x40;
	[tilespmem:s25+$0x1D000] =	vst v6;
	v6 =	vand.u32 $0xFFFF0000, v7  }
0x154: {  	v12 =	vld [tilespmem:s11+$0x800];
	[tilespmem:s25+$0x1D430] =	vst v6;
	v6 =	vshll.u32 v7, $0x10  }
0x155: {  	v10 =	vand.u32 $0xFFFF0000, v8;
	v7 =	vshll.u32 v8, $0x10;
	v8 =	vld.idx.msk [tilespmem:v5+s3+$0x0], $0xffff;
	[tilespmem:s25+$0x1D830] =	vst v6  }
0x156: {  	v6 =	vand.u32 $0xFFFF0000, v11;
	[tilespmem:s25+$0x1D010] =	vst v7;
	v7 =	vld.idx.msk [tilespmem:v9+s4+$0x0], $0xffff  }
0x157: {  	[tilespmem:s25+$0x1CC20] =	vst v6;
	v6 =	vld [tilespmem:s11+$0x830]  }
0x158: {  	v14 =	vld [tilespmem:s11+$0x810]  }
0x159: {  	v16 =	vld [tilespmem:s11+$0x820];
	[tilespmem:s25+$0x1CC10] =	vst v10;
	v10 =	vshll.u32 v11, $0x10  }
0x15a: {  	[tilespmem:s25+$0x1D020] =	vst v10;
	v13 =	vand.u32 $0xFFFF0000, v8;
	v8 =	vshll.u32 v8, $0x10  }
0x15b: {  	v11 =	vld.idx.msk [tilespmem:v4+s3+$0x0], $0xffff;
	[tilespmem:s25+$0x1D800] =	vst v8;
	v15 =	vand.u32 $0xFFFF0000, v7  }
0x15c: {  	v7 =	vshll.u32 v7, $0x10;
	v6 =	vsub.s32 v3, v6;
	[tilespmem:s25+$0x1DC30] =	vst v15  }
0x15d: {  	v10 =	vld.idx.msk [tilespmem:v2+s3+$0x0], $0xffff;
	v8 =	vsub.s32 v3, v12;
	v12 =	vsub.s32 v3, v14;
	[tilespmem:s25+$0x1E030] =	vst v7;
	v7 =	vshll.u32 v6, $0x4  }
0x15e: {  	[tilespmem:s25+$0x1D400] =	vst v13;
	v13 =	vsub.s32 v3, v16;
	v6 =	vshrl.u32 v6, $0x4;
	v18 =	vld.idx.msk [tilespmem:v9+s5+$0x0], $0xffff;
	v7 =	vor.u32 v0, v7  }
0x15f: {  	v14 =	vshrl.u32 v8, $0x4;
	v6 =	vand.u32 $0xFF0, v6;
	v7 =	vand.u32 $0xFFF, v7  }
0x160: {  	v16 =	vshrl.u32 v13, $0x4;
	v15 =	vand.u32 $0xFFFF0000, v11;
	v6 =	vor.u32 v0, v6  }
0x161: {  	v8 =	vshll.u32 v8, $0x4;
	v11 =	vshll.u32 v11, $0x10;
	v14 =	vand.u32 $0xFF0, v14;
	[tilespmem:s25+$0x1D410] =	vst v15  }
0x162: {  	v17 =	vand.u32 $0xFFFF0000, v10;
	v16 =	vand.u32 $0xFF0, v16;
	[tilespmem:s25+$0x1D810] =	vst v11;
	v11 =	vld.idx.msk [tilespmem:v5+s4+$0x0], $0xffff;
	v14 =	vor.u32 v0, v14  }
0x163: {  	v8 =	vor.u32 v0, v8;
	[tilespmem:s25+$0x1D420] =	vst v17;
	v16 =	vor.u32 v0, v16;
	v19 =	vld.idx.msk [tilespmem:v4+s4+$0x0], $0xffff;
	v17 =	vand.u32 $0xFFFF0000, v18  }
0x164: {  	v15 =	vshrl.u32 v12, $0x4;
	v8 =	vand.u32 $0xFFF, v8;
	v7 =	vld.idx.msk [tilespmem:v7+s0+$0x0], $0xffff;
	[tilespmem:s25+$0x1E430] =	vst v17;
	v17 =	vshll.u32 v18, $0x10  }
0x165: {  	v10 =	vshll.u32 v10, $0x10;
	v12 =	vshll.u32 v12, $0x4;
	v15 =	vand.u32 $0xFF0, v15;
	v6 =	vld.idx.msk [tilespmem:v6+s0+$0x0], $0xffff;
	[tilespmem:s25+$0x1E830] =	vst v17  }
0x166: {  	[tilespmem:s25+$0x1D820] =	vst v10;
	v10 =	vor.u32 v0, v12;
	v15 =	vor.u32 v0, v15;
	v12 =	vld.idx.msk [tilespmem:v9+s29+$0x0], $0xffff  }
0x167: {  	v10 =	vand.u32 $0xFFF, v10;
	v14 =	vld.idx.msk [tilespmem:v14+s0+$0x0], $0xffff  }
0x168: {  	v13 =	vshll.u32 v13, $0x4;
	v16 =	vld.idx.msk [tilespmem:v16+s0+$0x0], $0xffff  }
0x169: {  	v13 =	vor.u32 v0, v13;
	v8 =	vld.idx.msk [tilespmem:v8+s0+$0x0], $0xffff;
	v18 =	vand.u32 $0xFFFF0000, v11  }
0x16a: {  	v13 =	vand.u32 $0xFFF, v13;
	v11 =	vshll.u32 v11, $0x10;
	v17 =	vld.idx.msk [tilespmem:v2+s4+$0x0], $0xffff;
	[tilespmem:s25+$0x1DC00] =	vst v18;
	v6 =	vshll.u32 v6, $0x5  }
0x16b: {  	v15 =	vld.idx.msk [tilespmem:v15+s0+$0x0], $0xffff;
	[tilespmem:s25+$0x1E000] =	vst v11;
	v6 =	vadd.s32 v6, v7;
	v7 =	vand.u32 $0xFFFF0000, v12  }
0x16c: {  	v10 =	vld.idx.msk [tilespmem:v10+s0+$0x0], $0xffff;
	v6 =	vadd.s32 v1, v6;
	[tilespmem:s25+$0x1EC30] =	vst v7;
	v7 =	vshll.u32 v12, $0x10  }
0x16d: {  	v11 =	vand.u32 $0xFFFF0000, v19;
	v12 =	vld.idx.msk [tilespmem:v5+s5+$0x0], $0xffff;
	[tilespmem:s25+$0x1F030] =	vst v7  }
0x16e: {  	[tilespmem:s25+$0x1DC10] =	vst v11;
	v7 =	vshll.u32 v19, $0x10;
	v11 =	vld.idx.msk [tilespmem:v9+s8+$0x0], $0xffff  }
0x16f: {  	[tilespmem:s25+$0x1E010] =	vst v7;
	v7 =	vld.idx.msk [tilespmem:v13+s0+$0x0], $0xffff;
	v9 =	vshll.u32 v14, $0x5  }
0x170: {  	v13 =	vand.u32 $0xFFFF0000, v17;
	v14 =	vld.idx.msk [tilespmem:v4+s5+$0x0], $0xffff;
	v8 =	vadd.s32 v9, v8  }
0x171: {  	v17 =	vshll.u32 v17, $0x10;
	[tilespmem:s25+$0x1DC20] =	vst v13;
	v13 =	vshll.u32 v15, $0x5;
	v9 =	vadd.s32 v1, v8;
	v15 =	vld.idx.msk [tilespmem:v6+s1+$0x0], $0xffff  }
0x172: {  	[tilespmem:s25+$0x1E020] =	vst v17;
	v8 =	vadd.s32 v13, v10;
	v10 =	vand.u32 $0xFFFF0000, v12  }
0x173: {  	v8 =	vadd.s32 v1, v8;
	v12 =	vshll.u32 v12, $0x10;
	[tilespmem:s25+$0x1E400] =	vst v10  }
0x174: {  	v13 =	vshll.u32 v16, $0x5;
	v16 =	vld.idx.msk [tilespmem:v2+s5+$0x0], $0xffff;
	[tilespmem:s25+$0x1E800] =	vst v12;
	v10 =	vshll.u32 v11, $0x10  }
0x175: {  	[tilespmem:s25+$0x1F830] =	vst v10;
	v10 =	vand.u32 $0xFFFF0000, v14  }
0x176: {  	v7 =	vadd.s32 v13, v7;
	v12 =	vld.idx.msk [tilespmem:v9+s1+$0x0], $0xffff;
	v13 =	vand.u32 $0xFFFF0000, v15;
	[tilespmem:s25+$0x1E410] =	vst v10  }
0x177: {  	v7 =	vadd.s32 v1, v7;
	v10 =	vshll.u32 v15, $0x10;
	[tilespmem:s11+$0x1CC30] =	vst v13  }
0x178: {  	v13 =	vshll.u32 v14, $0x10;
	v14 =	vld.idx.msk [tilespmem:v8+s1+$0x0], $0xffff;
	[tilespmem:s11+$0x1D030] =	vst v10  }
0x179: {  	v10 =	vand.u32 $0xFFFF0000, v16;
	[tilespmem:s25+$0x1E810] =	vst v13  }
0x17a: {  	v13 =	vshll.u32 v16, $0x10;
	v15 =	vld.idx.msk [tilespmem:v6+s3+$0x0], $0xffff;
	[tilespmem:s25+$0x1E420] =	vst v10  }
0x17b: {  	[tilespmem:s25+$0x1E820] =	vst v13;
	v13 =	vld.idx.msk [tilespmem:v5+s29+$0x0], $0xffff;
	v10 =	vand.u32 $0xFFFF0000, v12  }
0x17c: {  	v16 =	vld.idx.msk [tilespmem:v7+s1+$0x0], $0xffff;
	v12 =	vshll.u32 v12, $0x10;
	[tilespmem:s11+$0x1CC00] =	vst v10  }
0x17d: {  	v20 =	vld.idx.msk [tilespmem:v4+s29+$0x0], $0xffff;
	v10 =	vand.u32 $0xFFFF0000, v14;
	[tilespmem:s11+$0x1D000] =	vst v12  }
0x17e: {  	v21 =	vld.idx.msk [tilespmem:v2+s29+$0x0], $0xffff;
	v12 =	vshll.u32 v14, $0x10;
	[tilespmem:s11+$0x1CC10] =	vst v10  }
0x17f: {  	[tilespmem:s11+$0x1D010] =	vst v12;
	v10 =	vand.u32 $0xFFFF0000, v15;
	v18 =	vld.idx.msk [tilespmem:v9+s3+$0x0], $0xffff  }
0x180: {  	v12 =	vshll.u32 v15, $0x10;
	[tilespmem:s11+$0x1D430] =	vst v10  }
0x181: {  	v10 =	vand.u32 $0xFFFF0000, v11;
	[tilespmem:s11+$0x1D830] =	vst v12;
	v19 =	vand.u32 $0xFFFF0000, v13;
	v17 =	vld.idx.msk [tilespmem:v8+s3+$0x0], $0xffff;
	v11 =	vand.u32 $0xFFFF0000, v16  }
0x182: {  	v13 =	vshll.u32 v13, $0x10;
	v15 =	vand.u32 $0xFFFF0000, v20;
	v22 =	vshll.u32 v16, $0x10;
	[tilespmem:s11+$0x1CC20] =	vst v11  }
0x183: {  	s12 =	simm.s32 $0x40;
	s6 =	simm.s32 $0x200;
	v12 =	vshll.u32 v20, $0x10;
	v16 =	vld.idx.msk [tilespmem:v6+s4+$0x0], $0xffff;
	v14 =	vand.u32 $0xFFFF0000, v21;
	v11 =	vshll.u32 v21, $0x10;
	[tilespmem:s11+$0x1D020] =	vst v22  }
.LBB2_7:
0x184: {  	s7 =	sshra.s32 s6, $0x2;
	v20 =	vand.u32 $0xFFFF0000, v18;
	v18 =	vshll.u32 v18, $0x10;
	v21 =	vld.idx.msk [tilespmem:v7+s3+$0x0], $0xffff;
	[tilespmem:s25+$0x1EC00] =	vst v19  }
0x185: {  	v19 =	vld [tilespmem:s7+$0x830];
	[tilespmem:s11+$0x1D400] =	vst v20  }
0x186: {  	v20 =	vld [tilespmem:s7+$0x800];
	[tilespmem:s11+$0x1D800] =	vst v18;
	v18 =	vand.u32 $0xFFFF0000, v17;
	v17 =	vshll.u32 v17, $0x10  }
0x187: {  	v22 =	vld [tilespmem:s7+$0x810];
	[tilespmem:s11+$0x1D410] =	vst v18  }
0x188: {  	v18 =	vld [tilespmem:s7+$0x820];
	[tilespmem:s11+$0x1D810] =	vst v17;
	v17 =	vand.u32 $0xFFFF0000, v16  }
0x189: {  	v16 =	vshll.u32 v16, $0x10;
	v23 =	vld.idx.msk [tilespmem:v9+s4+$0x0], $0xffff;
	[tilespmem:s11+$0x1DC30] =	vst v17  }
0x18a: {  	s12 =	sadd.s32 $0x40, s12;
	v24 =	vand.u32 $0xFFFF0000, v21;
	v21 =	vshll.u32 v21, $0x10;
	v17 =	vsub.s32 v3, v19;
	v19 =	vld.idx.msk [tilespmem:v8+s4+$0x0], $0xffff;
	[tilespmem:s11+$0x1E030] =	vst v16  }
0x18b: {  	p0 =	slt.u32 s12, $0x3C0;
	v16 =	vsub.s32 v3, v20;
	v20 =	vshll.u32 v17, $0x4;
	[tilespmem:s11+$0x1D420] =	vst v24;
	v24 =	vld.idx.msk [tilespmem:v6+s5+$0x0], $0xffff  }
0x18c: {  	v17 =	vshrl.u32 v17, $0x4;
	v22 =	vsub.s32 v3, v22;
	v20 =	vor.u32 v0, v20;
	[tilespmem:s11+$0x1D820] =	vst v21  }
0x18d: {  	v17 =	vand.u32 $0xFF0, v17;
	v18 =	vsub.s32 v3, v18;
	v20 =	vand.u32 $0xFFF, v20;
	v21 =	vld.idx.msk [tilespmem:v7+s4+$0x0], $0xffff;
	[tilespmem:s25+$0x1F000] =	vst v13  }
0x18e: {  	v13 =	vshrl.u32 v16, $0x4;
	v25 =	vshrl.u32 v22, $0x4;
	v17 =	vor.u32 v0, v17;
	v26 =	vld.idx.msk [tilespmem:v5+s8+$0x0], $0xffff;
	[tilespmem:s25+$0x1EC10] =	vst v15;
	v5 =	vmovc v9  }
0x18f: {  	v9 =	vand.u32 $0xFF0, v13;
	v13 =	vand.u32 $0xFF0, v25;
	v15 =	vshrl.u32 v18, $0x4;
	[tilespmem:s25+$0x1F010] =	vst v12  }
0x190: {  	v12 =	vshll.u32 v16, $0x4;
	v16 =	vshll.u32 v22, $0x4;
	v15 =	vand.u32 $0xFF0, v15;
	v22 =	vld.idx.msk [tilespmem:v4+s8+$0x0], $0xffff;
	[tilespmem:s25+$0x1EC20] =	vst v14;
	v4 =	vmovc v8  }
0x191: {  	v8 =	vor.u32 v0, v9;
	v9 =	vshll.u32 v18, $0x4;
	v14 =	vand.u32 $0xFFFF0000, v24;
	[tilespmem:s25+$0x1F020] =	vst v11  }
0x192: {  	v11 =	vor.u32 v0, v13;
	v13 =	vor.u32 v0, v15;
	v15 =	vld.idx.msk [tilespmem:v20+s0+$0x0], $0xffff;
	[tilespmem:s11+$0x1E430] =	vst v14;
	v14 =	vshll.u32 v24, $0x10  }
0x193: {  	v12 =	vor.u32 v0, v12;
	v16 =	vor.u32 v0, v16;
	v18 =	vand.u32 $0xFFFF0000, v23;
	v17 =	vld.idx.msk [tilespmem:v17+s0+$0x0], $0xffff;
	[tilespmem:s11+$0x1E830] =	vst v14  }
0x194: {  	v12 =	vand.u32 $0xFFF, v12;
	v9 =	vor.u32 v0, v9;
	v14 =	vand.u32 $0xFFF, v16;
	[tilespmem:s11+$0x1DC00] =	vst v18;
	v16 =	vld.idx.msk [tilespmem:v6+s29+$0x0], $0xffff  }
0x195: {  	v9 =	vand.u32 $0xFFF, v9;
	v20 =	vand.u32 $0xFFFF0000, v19;
	v18 =	vshll.u32 v23, $0x10;
	v23 =	vld.idx.msk [tilespmem:v2+s8+$0x0], $0xffff;
	[tilespmem:s25+$0x1F430] =	vst v10;
	v2 =	vmovc v7  }
0x196: {  	v10 =	vand.u32 $0xFFFF0000, v21;
	v7 =	vld.idx.msk [tilespmem:v8+s0+$0x0], $0xffff;
	[tilespmem:s11+$0x1E000] =	vst v18;
	v8 =	vshll.u32 v19, $0x10;
	v18 =	vshll.u32 v21, $0x10  }
0x197: {  	v19 =	vand.u32 $0xFFFF0000, v26;
	v21 =	vand.u32 $0xFFFF0000, v22;
	v11 =	vld.idx.msk [tilespmem:v11+s0+$0x0], $0xffff;
	[tilespmem:s11+$0x1DC10] =	vst v20;
	v20 =	vshll.u32 v26, $0x10  }
0x198: {  	v13 =	vld.idx.msk [tilespmem:v13+s0+$0x0], $0xffff;
	[tilespmem:s11+$0x1E010] =	vst v8;
	v8 =	vshll.u32 v22, $0x10  }
0x199: {  	v17 =	vshll.u32 v17, $0x5;
	v12 =	vld.idx.msk [tilespmem:v12+s0+$0x0], $0xffff;
	[tilespmem:s11+$0x1DC20] =	vst v10  }
0x19a: {  	v10 =	vld.idx.msk [tilespmem:v14+s0+$0x0], $0xffff;
	v14 =	vadd.s32 v17, v15;
	[tilespmem:s11+$0x1E020] =	vst v18;
	v15 =	vand.u32 $0xFFFF0000, v16  }
0x19b: {  	v17 =	vld.idx.msk [tilespmem:v9+s0+$0x0], $0xffff;
	v14 =	vadd.s32 v1, v14;
	[tilespmem:s11+$0x1EC30] =	vst v15;
	v9 =	vshll.u32 v16, $0x10;
	v15 =	vand.u32 $0xFFFF0000, v23  }
0x19c: {  	v18 =	vshll.u32 v23, $0x10;
	v7 =	vshll.u32 v7, $0x5;
	v16 =	vld.idx.msk [tilespmem:v5+s5+$0x0], $0xffff;
	[tilespmem:s11+$0x1F030] =	vst v9  }
0x19d: {  	v11 =	vshll.u32 v11, $0x5;
	v22 =	vld.idx.msk [tilespmem:v6+s8+$0x0], $0xffff;
	[tilespmem:s25+$0x1F400] =	vst v19;
	v6 =	vmov v14  }
0x19e: {  	v13 =	vshll.u32 v13, $0x5;
	v19 =	vld.idx.msk [tilespmem:v4+s5+$0x0], $0xffff;
	[tilespmem:s25+$0x1F800] =	vst v20  }
0x19f: {  	v7 =	vadd.s32 v7, v12;
	v12 =	vld.idx.msk [tilespmem:v2+s5+$0x0], $0xffff;
	[tilespmem:s25+$0x1F410] =	vst v21  }
0x1a0: {  	v9 =	vadd.s32 v1, v7;
	v7 =	vadd.s32 v11, v10;
	v11 =	vld.idx.msk [tilespmem:v14+s1+$0x0], $0xffff;
	[tilespmem:s25+$0x1F810] =	vst v8  }
0x1a1: {  	v8 =	vadd.s32 v1, v7;
	v7 =	vadd.s32 v13, v17;
	[tilespmem:s25+$0x1F420] =	vst v15  }
0x1a2: {  	v7 =	vadd.s32 v1, v7;
	v10 =	vand.u32 $0xFFFF0000, v16;
	v13 =	vshll.u32 v16, $0x10;
	[tilespmem:s25+$0x1F820] =	vst v18;
	s25 =	smov.u32 s11;
	s11 =	smov.u32 s7  }
0x1a3: {  	v14 =	vshll.u32 v22, $0x10;
	[tilespmem:s25+$0x1E400] =	vst v10;
	v10 =	vand.u32 $0xFFFF0000, v22  }
0x1a4: {  	v15 =	vand.u32 $0xFFFF0000, v19;
	v16 =	vshll.u32 v19, $0x10;
	[tilespmem:s25+$0x1F830] =	vst v14  }
0x1a5: {  	v14 =	vld.idx.msk [tilespmem:v9+s1+$0x0], $0xffff;
	[tilespmem:s25+$0x1E800] =	vst v13;
	v13 =	vand.u32 $0xFFFF0000, v12;
	v12 =	vshll.u32 v12, $0x10  }
0x1a6: {  	v18 =	vand.u32 $0xFFFF0000, v11;
	v17 =	vld.idx.msk [tilespmem:v8+s1+$0x0], $0xffff;
	[tilespmem:s25+$0x1E410] =	vst v15  }
0x1a7: {  	v11 =	vshll.u32 v11, $0x10;
	v15 =	vld.idx.msk [tilespmem:v7+s1+$0x0], $0xffff;
	[tilespmem:s11+$0x1CC30] =	vst v18  }
0x1a8: {  	[tilespmem:s11+$0x1D030] =	vst v11;
	v11 =	vld.idx.msk [tilespmem:v5+s29+$0x0], $0xffff  }
0x1a9: {  	v20 =	vld.idx.msk [tilespmem:v6+s3+$0x0], $0xffff;
	[tilespmem:s25+$0x1E810] =	vst v16  }
0x1aa: {  	v16 =	vld.idx.msk [tilespmem:v4+s29+$0x0], $0xffff;
	[tilespmem:s25+$0x1E420] =	vst v13  }
0x1ab: {  	v13 =	vand.u32 $0xFFFF0000, v14;
	v14 =	vshll.u32 v14, $0x10;
	[tilespmem:s25+$0x1E820] =	vst v12  }
0x1ac: {  	v12 =	vand.u32 $0xFFFF0000, v17;
	v17 =	vshll.u32 v17, $0x10;
	[tilespmem:s11+$0x1CC00] =	vst v13;
	v21 =	vld.idx.msk [tilespmem:v2+s29+$0x0], $0xffff  }
0x1ad: {  	v22 =	vshll.u32 v15, $0x10;
	[tilespmem:s11+$0x1D000] =	vst v14;
	v14 =	vand.u32 $0xFFFF0000, v15  }
0x1ae: {  	v19 =	vand.u32 $0xFFFF0000, v11;
	v13 =	vshll.u32 v11, $0x10;
	v18 =	vld.idx.msk [tilespmem:v9+s3+$0x0], $0xffff;
	[tilespmem:s11+$0x1CC10] =	vst v12  }
.Ltmp2:
0x1af: {  	v11 =	vand.u32 $0xFFFF0000, v20;
	[tilespmem:s11+$0x1D010] =	vst v17;
	(pc) =	sbr.rel @p0 .LBB2_7-.Ltmp2, $4  }
0x1b0: {  	v15 =	vand.u32 $0xFFFF0000, v16;
	v12 =	vshll.u32 v16, $0x10;
	v17 =	vld.idx.msk [tilespmem:v8+s3+$0x0], $0xffff;
	[tilespmem:s11+$0x1D430] =	vst v11;
	v11 =	vshll.u32 v20, $0x10  }
0x1b1: {  	[tilespmem:s11+$0x1D830] =	vst v11  }
0x1b2: {  	v11 =	vshll.u32 v21, $0x10;
	[tilespmem:s11+$0x1CC20] =	vst v14;
	v16 =	vld.idx.msk [tilespmem:v6+s4+$0x0], $0xffff;
	v14 =	vand.u32 $0xFFFF0000, v21  }
0x1b3: {  	s6 =	sadd.s32 $0x100, s6;
	[tilespmem:s11+$0x1D020] =	vst v22  }
0x1b4: {  	[tilespmem:s25+$0x1EC00] =	vst v19  }
0x1b5: {  	[tilespmem:s25+$0x1F000] =	vst v13  }
0x1b6: {  	[tilespmem:s25+$0x1EC10] =	vst v15  }
0x1b7: {  	[tilespmem:s25+$0x1F010] =	vst v12  }
0x1b8: {  	[tilespmem:s25+$0x1EC20] =	vst v14  }
0x1b9: {  	[tilespmem:s25+$0x1F020] =	vst v11  }
0x1ba: {  	v3 =	vand.u32 $0xFFFF0000, v18;
	[tilespmem:s25+$0x1F430] =	vst v10  }
0x1bb: {  	v38 =	vshll.u32 v18, $0x10;
	v39 =	vld.idx.msk [tilespmem:v7+s3+$0x0], $0xffff;
	[tilespmem:s11+$0x1D400] =	vst v3  }
0x1bc: {  	[tilespmem:s11+$0x1D800] =	vst v38;
	v3 =	vand.u32 $0xFFFF0000, v17  }
0x1bd: {  	v40 =	vshll.u32 v17, $0x10;
	v4 =	vld.idx.msk [tilespmem:v4+s8+$0x0], $0xffff;
	[tilespmem:s11+$0x1D410] =	vst v3  }
0x1be: {  	v2 =	vld.idx.msk [tilespmem:v2+s8+$0x0], $0xffff;
	[tilespmem:s11+$0x1D810] =	vst v40;
	v3 =	vand.u32 $0xFFFF0000, v16  }
0x1bf: {  	[tilespmem:s11+$0x1DC30] =	vst v3;
	v3 =	vshll.u32 v16, $0x10  }
0x1c0: {  	v43 =	vld.idx.msk [tilespmem:v8+s4+$0x0], $0xffff;
	v41 =	vand.u32 $0xFFFF0000, v39;
	[tilespmem:s11+$0x1E030] =	vst v3  }
0x1c1: {  	v3 =	vshll.u32 v39, $0x10;
	[tilespmem:s11+$0x1D420] =	vst v41  }
0x1c2: {  	v42 =	vld.idx.msk [tilespmem:v6+s5+$0x0], $0xffff;
	[tilespmem:s11+$0x1D820] =	vst v3;
	v57 =	vand.u32 $0xFFFF0000, v4  }
0x1c3: {  	v3 =	vld.idx.msk [tilespmem:v9+s4+$0x0], $0xffff;
	v60 =	vand.u32 $0xFFFF0000, v2;
	[tilespmem:s25+$0x1F410] =	vst v57  }
0x1c4: {  	v2 =	vshll.u32 v2, $0x10;
	[tilespmem:s25+$0x1F420] =	vst v60  }
0x1c5: {  	[tilespmem:s25+$0x1F820] =	vst v2;
	v48 =	vand.u32 $0xFFFF0000, v43  }
0x1c6: {  	v46 =	vld.idx.msk [tilespmem:v7+s4+$0x0], $0xffff;
	v49 =	vshll.u32 v43, $0x10;
	[tilespmem:s11+$0x1DC10] =	vst v48  }
0x1c7: {  	[tilespmem:s11+$0x1E010] =	vst v49;
	v44 =	vand.u32 $0xFFFF0000, v42  }
0x1c8: {  	v56 =	vld.idx.msk [tilespmem:v8+s5+$0x0], $0xffff;
	v47 =	vand.u32 $0xFFFF0000, v3;
	v3 =	vshll.u32 v3, $0x10;
	[tilespmem:s11+$0x1E430] =	vst v44  }
0x1c9: {  	[tilespmem:s11+$0x1E000] =	vst v3;
	v3 =	vld.idx.msk [tilespmem:v5+s8+$0x0], $0xffff  }
0x1ca: {  	v45 =	vshll.u32 v42, $0x10;
	[tilespmem:s11+$0x1DC00] =	vst v47  }
0x1cb: {  	[tilespmem:s11+$0x1E830] =	vst v45;
	v50 =	vand.u32 $0xFFFF0000, v46;
	v54 =	vld.idx.msk [tilespmem:v9+s5+$0x0], $0xffff  }
0x1cc: {  	v51 =	vshll.u32 v46, $0x10;
	[tilespmem:s11+$0x1DC20] =	vst v50  }
0x1cd: {  	[tilespmem:s11+$0x1E020] =	vst v51;
	v5 =	vshll.u32 v56, $0x10  }
0x1ce: {  	[tilespmem:s11+$0x1E810] =	vst v5;
	v55 =	vand.u32 $0xFFFF0000, v3;
	v3 =	vshll.u32 v3, $0x10  }
0x1cf: {  	v58 =	vld.idx.msk [tilespmem:v7+s5+$0x0], $0xffff;
	[tilespmem:s25+$0x1F800] =	vst v3;
	v3 =	vshll.u32 v4, $0x10  }
0x1d0: {  	v10 =	vshll.u32 v54, $0x10;
	[tilespmem:s25+$0x1F810] =	vst v3  }
0x1d1: {  	v11 =	vld.idx.msk [tilespmem:v6+s29+$0x0], $0xffff;
	v3 =	vand.u32 $0xFFFF0000, v54;
	[tilespmem:s11+$0x1E800] =	vst v10  }
0x1d2: {  	[tilespmem:s11+$0x1E400] =	vst v3;
	v3 =	vand.u32 $0xFFFF0000, v56  }
0x1d3: {  	[tilespmem:s11+$0x1E410] =	vst v3;
	v3 =	vld.idx.msk [tilespmem:v9+s29+$0x0], $0xffff  }
0x1d4: {  	[tilespmem:s25+$0x1F400] =	vst v55;
	v59 =	vand.u32 $0xFFFF0000, v58  }
0x1d5: {  	v4 =	vshll.u32 v58, $0x10;
	[tilespmem:s11+$0x1E420] =	vst v59;
	v5 =	vld.idx.msk [tilespmem:v8+s29+$0x0], $0xffff  }
0x1d6: {  	v52 =	vand.u32 $0xFFFF0000, v11;
	[tilespmem:s11+$0x1E820] =	vst v4  }
0x1d7: {  	v53 =	vshll.u32 v11, $0x10;
	[tilespmem:s11+$0x1EC30] =	vst v52;
	v4 =	vld.idx.msk [tilespmem:v7+s29+$0x0], $0xffff  }
0x1d8: {  	[tilespmem:s11+$0x1F030] =	vst v53;
	v2 =	vand.u32 $0xFFFF0000, v3  }
0x1d9: {  	v61 =	vld.idx.msk [tilespmem:v6+s8+$0x0], $0xffff;
	v3 =	vshll.u32 v3, $0x10;
	[tilespmem:s11+$0x1EC00] =	vst v2  }
0x1da: {  	v2 =	vand.u32 $0xFFFF0000, v5;
	[tilespmem:s11+$0x1F000] =	vst v3  }
0x1db: {  	v3 =	vshll.u32 v5, $0x10;
	v62 =	vld.idx.msk [tilespmem:v9+s8+$0x0], $0xffff;
	[tilespmem:s11+$0x1EC10] =	vst v2  }
0x1dc: {  	v2 =	vand.u32 $0xFFFF0000, v4;
	[tilespmem:s11+$0x1F010] =	vst v3  }
0x1dd: {  	v3 =	vshll.u32 v4, $0x10;
	v63 =	vld.idx.msk [tilespmem:v8+s8+$0x0], $0xffff;
	[tilespmem:s11+$0x1EC20] =	vst v2  }
0x1de: {  	v2 =	vshll.u32 v61, $0x10;
	[tilespmem:s11+$0x1F020] =	vst v3  }
0x1df: {  	v3 =	vand.u32 $0xFFFF0000, v61;
	[tilespmem:s11+$0x1F830] =	vst v2;
	v2 =	vld.idx.msk [tilespmem:v7+s8+$0x0], $0xffff  }
0x1e0: {  	[tilespmem:s11+$0x1F430] =	vst v3;
	v3 =	vand.u32 $0xFFFF0000, v62  }
0x1e1: {  	v5 =	vshll.u32 v62, $0x10;
	[tilespmem:s11+$0x1F400] =	vst v3  }
0x1e2: {  	v3 =	vand.u32 $0xFFFF0000, v63;
	[tilespmem:s11+$0x1F800] =	vst v5  }
0x1e3: {  	v4 =	vshll.u32 v63, $0x10;
	[tilespmem:s11+$0x1F410] =	vst v3  }
0x1e4: {  	s6 =	sadd.s32 s10, s2;
	v3 =	vand.u32 $0xFFFF0000, v2;
	[tilespmem:s11+$0x1F810] =	vst v4  }
0x1e5: {  	s12 =	sor.u32 $0x401, s14;
	s6 =	sadd.s32 s30, s6;
	v2 =	vshll.u32 v2, $0x10;
	[tilespmem:s11+$0x1F420] =	vst v3  }
0x1e6: {  	s7 =	simm.s32 $0x1CC00;
	s6 =	sadd.s32 $0x10, s6;
	s25 =	sshll.u32 s12, $0x4;
	[tilespmem:s11+$0x1F820] =	vst v2  }
0x1e7: {  	[hbm4b:s6+s28] =	stream.strided.scatter [tilespmem:s7], [sflag:$0x2], $0x400, s31, s28, $0x38;
	[tilespmem:$0x1FC00] =	vst v63  }
0x1e8: {  	s6 =	sshll.u32 s12, $0x7;
	s7 =	sand.u32 $0x70, s25  }
0x1e9: {  	s6 =	sand.u32 $0xFFFFC00, s6;
	s7 =	sadd.s32 s2, s7  }
0x1ea: {  	s30 =	simm.s32 $0x1D000;
	s6 =	sadd.s32 s6, s7;
	s7 =	sor.u32 $0x801, s14  }
0x1eb: {  	[hbm4b:s6+s28] =	stream.strided.scatter [tilespmem:s30], [sflag:$0x2], $0x400, s31, s28, $0x38;
	[tilespmem:$0x1FC00] =	vst v63  }
0x1ec: {  	s10 =	sshll.u32 s7, $0x4  }
0x1ed: {  	s6 =	sshll.u32 s7, $0x7;
	s7 =	sand.u32 $0x70, s10  }
0x1ee: {  	s12 =	sor.u32 $0xC01, s14;
	s6 =	sand.u32 $0xFFFFC00, s6;
	s7 =	sadd.s32 s2, s7  }
0x1ef: {  	s11 =	simm.s32 $0x1D400;
	s25 =	sshll.u32 s12, $0x4;
	s6 =	sadd.s32 s6, s7  }
0x1f0: {  	[hbm4b:s6+s28] =	stream.strided.scatter [tilespmem:s11], [sflag:$0x2], $0x400, s31, s28, $0x38;
	[tilespmem:$0x1FC00] =	vst v63  }
0x1f1: {  	s7 =	sand.u32 $0x70, s25;
	s6 =	sshll.u32 s12, $0x7  }
0x1f2: {  	s7 =	sadd.s32 s2, s7;
	s6 =	sand.u32 $0xFFFFC00, s6  }
0x1f3: {  	s30 =	simm.s32 $0x1D800;
	s6 =	sadd.s32 s6, s7;
	s7 =	sadd.s32 $0x1001, s14  }
0x1f4: {  	[hbm4b:s6+s28] =	stream.strided.scatter [tilespmem:s30], [sflag:$0x2], $0x400, s31, s28, $0x38;
	[tilespmem:$0x1FC00] =	vst v63  }
0x1f5: {  	s10 =	sshll.u32 s7, $0x4  }
0x1f6: {  	s6 =	sshll.u32 s7, $0x7;
	s7 =	sand.u32 $0x70, s10  }
0x1f7: {  	s12 =	sadd.s32 $0x1401, s14;
	s6 =	sand.u32 $0xFFFFC00, s6;
	s7 =	sadd.s32 s2, s7  }
0x1f8: {  	s11 =	simm.s32 $0x1DC00;
	s25 =	sshll.u32 s12, $0x4;
	s6 =	sadd.s32 s6, s7  }
0x1f9: {  	[hbm4b:s6+s28] =	stream.strided.scatter [tilespmem:s11], [sflag:$0x2], $0x400, s31, s28, $0x38;
	[tilespmem:$0x1FC00] =	vst v63  }
0x1fa: {  	s7 =	sand.u32 $0x70, s25;
	s6 =	sshll.u32 s12, $0x7  }
0x1fb: {  	s7 =	sadd.s32 s2, s7;
	s6 =	sand.u32 $0xFFFFC00, s6  }
0x1fc: {  	s30 =	simm.s32 $0x1E000;
	s6 =	sadd.s32 s6, s7;
	s7 =	sadd.s32 $0x1801, s14  }
0x1fd: {  	[hbm4b:s6+s28] =	stream.strided.scatter [tilespmem:s30], [sflag:$0x2], $0x400, s31, s28, $0x38;
	[tilespmem:$0x1FC00] =	vst v63  }
0x1fe: {  	s10 =	sshll.u32 s7, $0x4  }
0x1ff: {  	s6 =	sshll.u32 s7, $0x7;
	s7 =	sand.u32 $0x70, s10  }
0x200: {  	s12 =	sadd.s32 $0x1C01, s14;
	s6 =	sand.u32 $0xFFFFC00, s6;
	s7 =	sadd.s32 s2, s7  }
0x201: {  	s11 =	simm.s32 $0x1E400;
	s25 =	sshll.u32 s12, $0x4;
	s6 =	sadd.s32 s6, s7  }
0x202: {  	[hbm4b:s6+s28] =	stream.strided.scatter [tilespmem:s11], [sflag:$0x2], $0x400, s31, s28, $0x38;
	[tilespmem:$0x1FC00] =	vst v63  }
0x203: {  	s7 =	sand.u32 $0x70, s25;
	s6 =	sshll.u32 s12, $0x7  }
0x204: {  	s7 =	sadd.s32 s2, s7;
	s6 =	sand.u32 $0xFFFFC00, s6  }
0x205: {  	s30 =	simm.s32 $0x1E800;
	s6 =	sadd.s32 s6, s7;
	s7 =	sadd.s32 $0x2001, s14  }
0x206: {  	[hbm4b:s6+s28] =	stream.strided.scatter [tilespmem:s30], [sflag:$0x2], $0x400, s31, s28, $0x38;
	[tilespmem:$0x1FC00] =	vst v63  }
0x207: {  	s10 =	sshll.u32 s7, $0x4  }
0x208: {  	s6 =	sshll.u32 s7, $0x7;
	s7 =	sand.u32 $0x70, s10  }
0x209: {  	s12 =	sadd.s32 $0x2401, s14;
	s6 =	sand.u32 $0xFFFFC00, s6;
	s7 =	sadd.s32 s2, s7  }
0x20a: {  	s11 =	simm.s32 $0x1EC00;
	s25 =	sshll.u32 s12, $0x4;
	s6 =	sadd.s32 s6, s7  }
0x20b: {  	[hbm4b:s6+s28] =	stream.strided.scatter [tilespmem:s11], [sflag:$0x2], $0x400, s31, s28, $0x38;
	[tilespmem:$0x1FC00] =	vst v63  }
0x20c: {  	s7 =	sand.u32 $0x70, s25;
	s6 =	sshll.u32 s12, $0x7  }
0x20d: {  	s10 =	sadd.s32 $0x2801, s14;
	s7 =	sadd.s32 s2, s7;
	s6 =	sand.u32 $0xFFFFC00, s6  }
0x20e: {  	s30 =	simm.s32 $0x1F000;
	s11 =	sshll.u32 s10, $0x4;
	s6 =	sadd.s32 s6, s7  }
0x20f: {  	[hbm4b:s6+s28] =	stream.strided.scatter [tilespmem:s30], [sflag:$0x2], $0x400, s31, s28, $0x38;
	[tilespmem:$0x1FC00] =	vst v63  }
0x210: {  	s13 =	sadd.s32 $0x1, s13;
	s7 =	sand.u32 $0x70, s11;
	s6 =	sshll.u32 s10, $0x7  }
0x211: {  	p0 =	sne.s32 s13, $0x40;
	s7 =	sadd.s32 s2, s7;
	s6 =	sand.u32 $0xFFFFC00, s6  }
0x212: {  	s14 =	sadd.s32 $0x2C01, s14;
	s12 =	simm.s32 $0x1F400;
	s6 =	sadd.s32 s6, s7  }
0x213: {  	[hbm4b:s6+s28] =	stream.strided.scatter [tilespmem:s12], [sflag:$0x2], $0x400, s31, s28, $0x38;
	[tilespmem:$0x1FC00] =	vst v63  }
.Ltmp3:
0x214: {  	s25 =	sshll.u32 s14, $0x4;
	(pc) =	sbr.rel @p0 .LBB2_4-.Ltmp3, $4  }
0x215: {  	s7 =	sand.u32 $0x70, s25;
	s6 =	sshll.u32 s14, $0x7  }
0x216: {  	s7 =	sadd.s32 s2, s7;
	s6 =	sand.u32 $0xFFFFC00, s6  }
0x217: {  	s30 =	simm.s32 $0x1F800;
	s6 =	sadd.s32 s6, s7  }
0x218: {  	[hbm4b:s6+s28] =	stream.strided.scatter [tilespmem:s30], [sflag:$0x2], $0x400, s31, s28, $0x38;
	[tilespmem:$0x1FC00] =	vst v63  }
0x219: {  	s6 =	simm.s32 $0x1  }
0x21a: {  	_ =	swait.ge [sflag:s6], $0x3000  }
0x21b: {  	[sflag:s6] =	ssyncset.done $0x0  }
0x21c: {  	s7 =	simm.s32 $0x2;
	[sflag:s6] =	ssyncadd.s32 $0xFFFFD000  }
0x21d: {  	_ =	swait.ge [sflag:s7], $0x3000  }
0x21e: {  	s10 =	rddreg [dreg:$0xf]  }
0x21f: {  	s30 =	rddreg [dreg:$0xe];
	s10 =	sadd.s32 $0x1, s10  }
0x220: {  	p0 =	sne.s32 s10, s30  }
.Ltmp4:
0x221: {  	_ = 	snop;
	(pc) =	sbr.rel @p0 .LBB2_1-.Ltmp4, $3  }
0x222: {  	_ =	sdelay $0x1  }
0x223: {  	[sflag:s7] =	ssyncset.done $0x0  }
0x224: {  	[sflag:s7] =	ssyncadd.s32 $0xFFFFD000  }
0x225: {  	_ =	sfence.sel $0x180000  }
0x226: {  	[bflag:$0x0] =	sbarrier.arrive $0xFFFF  }
0x227: {  	_ =	strace $0x90000047  }
0x228: {  	s0 =	stileid.u32;
	[bflag:$0x2] =	sbarrier.arrive $0xFFFF  }
0x229: {  	p0 =	sne.s32 s0, $0x0;
	s0 =	rddreg [dreg:$0x2]  }
0x22a: {  	s0 =	sadd.s32 @!p0 $0x100000, s0  }
0x22b: {  	[sflag:s0] =	ssyncadd.tile.s32 @!p0 $0x1;
	_ =	shalt  }
.Lfunc_end2:
_tile_overlayer_lowered:
.L_overlay_start_2:
0x22c: {  	(tag) =	ssettag $0x2  }
0x22d: {  	s0 =	rddreg [dreg:$0x0];
	s2 =	stileid.u32  }
0x22e: {  	s1 =	rddreg [dreg:$0x1];
	p0 =	sne.s32 s2, $0x0  }
0x22f: {  	s3 =	rddreg [dreg:$0x2];
	[bflag:$0x3] =	sbarrier.arrive $0xFFFF;
	s2 =	simm.s32 @!p0 $0x1C03  }
0x230: {  	[timem:s3], [sflag:s2] =	dma.local @!p0 [hbm:s0], s1  }
0x231: {  	s0 =	simm.s32 @!p0 $0x3  }
0x232: {  	_ =	swait.ge @!p0 [sflag:s0], s1  }
0x233: {  	s1 =	ssub.s32 @!p0 $0x0, s1;
	[sflag:s0] =	ssyncset.done @!p0 $0x0  }
0x234: {  	[sflag:s0] =	ssyncadd.s32 @!p0 s1  }
0x235: {  	[bflag:$0x3] =	sbarrier.arrive $0xFFFF  }
0x236: {  	_ =	shalt  }

</sc_bundles>
